<compile_context>
chip_gen: v7x
topology: tpu7x:2x2x1
jax: 0.10.2.dev20260603
libtpu: 0.0.44.dev20260713+nightly
codegen_flags: <defaults>
</compile_context>

<pallas_src>
import jax
import jax.numpy as jnp
from jax import lax
from jax.experimental import pallas as pl
from jax.experimental.pallas import tpu as pltpu
from jax.experimental.pallas import tpu_sc as plsc

_N = 10000
_E = 320000
_DH = 64
_NC = 2
_NS = 16
_NW = _NC * _NS
_EPT = _E // _NW
_C = 80
_NCH = _EPT // _C
_NB = 10
_RPT = _N // _NS
_ZR = 125


def _vmesh():
    return plsc.VectorSubcoreMesh(
        core_axis_name="c", subcore_axis_name="s",
        num_cores=_NC, num_subcores=_NS)



def _deg_body(ei_hbm, out_hbm, dst_v, deg_v, dsem):
    cid = lax.axis_index("c")
    sid = lax.axis_index("s")
    wid = sid * _NC + cid
    d = pltpu.async_copy(ei_hbm.at[1, pl.ds(wid * _EPT, _EPT)], dst_v, dsem)
    zeros16 = jnp.zeros((16,), jnp.float32)

    def _zero(i, _):
        deg_v[pl.ds(i * 16, 16)] = zeros16
        return 0

    lax.fori_loop(0, _N // 16, _zero, 0, unroll=4)
    d.wait()

    def _hist(i, _):
        idx = dst_v[pl.ds(i * 16, 16)]
        cnt, last = plsc.scan_count(idx)
        plsc.addupdate_scatter(
            deg_v, [idx], cnt.astype(jnp.float32), mask=last)
        return 0

    lax.fori_loop(0, _EPT // 16, _hist, 0, unroll=4)
    pltpu.sync_copy(deg_v, out_hbm.at[wid])


_deg_call = pl.kernel(
    _deg_body,
    out_type=jax.ShapeDtypeStruct((_NW, _N), jnp.float32),
    mesh=_vmesh(),
    scratch_types=[
        pltpu.VMEM((_EPT,), jnp.int32),
        pltpu.VMEM((_N,), jnp.float32),
        pltpu.SemaphoreType.DMA,
    ],
    compiler_params=pltpu.CompilerParams(
        needs_layout_passes=False, use_tc_tiling_on_sc=False),
)



def _gs_body(y_hbm, ei_hbm, dst_hbm, out_hbm, src_v, dst_v, rows_v, zbuf,
             acc, gsem, ssem, isem):
    cid = lax.axis_index("c")
    sid = lax.axis_index("s")
    wid = sid * _NC + cid

    d1 = pltpu.async_copy(ei_hbm.at[0, pl.ds(wid * _EPT, _EPT)], src_v, isem)
    d2 = pltpu.async_copy(dst_hbm.at[wid], dst_v, isem)
    d1.wait()

    for b in range(_NB - 1):
        pltpu.async_copy(y_hbm.at[src_v.at[pl.ds(b * _C, _C)]],
                         rows_v.at[b], gsem.at[b])

    zeros16 = jnp.zeros((16,), jnp.float32)

    def _zrow(i, _):
        for j in range(_DH // 16):
            zbuf[i, pl.ds(j * 16, 16)] = zeros16
        return 0

    lax.fori_loop(0, _ZR, _zrow, 0)

    def _zcp(k, _):
        pltpu.sync_copy(zbuf, acc.at[pl.ds(sid * _RPT + k * _ZR, _ZR)])
        return 0

    lax.fori_loop(0, _RPT // _ZR, _zcp, 0)
    d2.wait()
    plsc.subcore_barrier()


    def _chunk(j, _):
        b = lax.rem(j, _NB)
        pb = lax.rem(j + _NB - 1, _NB)
        pltpu.make_async_copy(
            y_hbm.at[src_v.at[pl.ds(0, _C)]], rows_v.at[b],
            gsem.at[b]).wait()
        pltpu.async_copy(rows_v.at[b], acc.at[dst_v.at[j]], ssem.at[b],
                         add=True)

        @pl.when(j > 0)
        def _wait_prev_scatter():
            pltpu.make_async_copy(rows_v.at[pb], acc.at[dst_v.at[0]],
                                  ssem.at[pb]).wait()

        @pl.when(j < _NCH - (_NB - 1))
        def _start_next_gather():
            pltpu.async_copy(
                y_hbm.at[src_v.at[pl.ds((j + _NB - 1) * _C, _C)]],
                rows_v.at[pb], gsem.at[pb])

        return 0

    lax.fori_loop(0, _NCH, _chunk, 0)
    pltpu.make_async_copy(rows_v.at[(_NCH - 1) % _NB], acc.at[dst_v.at[0]],
                          ssem.at[(_NCH - 1) % _NB]).wait()
    plsc.subcore_barrier()

    pltpu.sync_copy(acc.at[pl.ds(sid * _RPT, _RPT)],
                    out_hbm.at[pl.ds(cid * _N + sid * _RPT, _RPT)])


_gs_call = pl.kernel(
    _gs_body,
    out_type=jax.ShapeDtypeStruct((_NC * _N, _DH), jnp.float32),
    mesh=_vmesh(),
    scratch_types=[
        pltpu.VMEM((_EPT,), jnp.int32),
        pltpu.VMEM((_NCH, _C), jnp.int32),
        pltpu.VMEM((_NB, _C, _DH), jnp.float32),
        pltpu.VMEM((_ZR, _DH), jnp.float32),
        pltpu.VMEM_SHARED((_N, _DH), jnp.float32),
        pltpu.SemaphoreType.DMA((_NB,)),
        pltpu.SemaphoreType.DMA((_NB,)),
        pltpu.SemaphoreType.DMA,
    ],
    compiler_params=pltpu.CompilerParams(use_tc_tiling_on_sc=False),
)



def _t1_body(x_ref, w_ref, degp_ref, y_ref, dinv_ref):
    deg = jnp.sum(degp_ref[...], axis=0) + 1.0
    dinv = lax.rsqrt(jnp.maximum(deg, 1e-12))
    dcol = dinv[:, None]
    xl = jnp.dot(x_ref[...], w_ref[...], preferred_element_type=jnp.float32)
    y_ref[...] = xl * dcol
    dinv_ref[...] = dcol


_t1_call = pl.pallas_call(
    _t1_body,
    out_shape=(
        jax.ShapeDtypeStruct((_N, _DH), jnp.float32),
        jax.ShapeDtypeStruct((_N, 1), jnp.float32),
    ),
)


def _t2_body(aggp_ref, y_ref, dinv_ref, b_ref, w_ref, y2_ref):
    dinv = dinv_ref[...]
    agg = aggp_ref[0:_N, :] + aggp_ref[_N:2 * _N, :] + y_ref[...]
    h = jnp.maximum(agg * dinv + b_ref[...][None, :], 0.0)
    y2_ref[...] = jnp.dot(
        h, w_ref[...], preferred_element_type=jnp.float32) * dinv


_t2_call = pl.pallas_call(
    _t2_body,
    out_shape=jax.ShapeDtypeStruct((_N, _DH), jnp.float32),
)


def _t3_body(aggp_ref, y_ref, dinv_ref, b_ref, out_ref):
    agg = aggp_ref[0:_N, :] + aggp_ref[_N:2 * _N, :] + y_ref[...]
    out_ref[...] = jnp.maximum(
        agg * dinv_ref[...] + b_ref[...][None, :], 0.0)


_t3_call = pl.pallas_call(
    _t3_body,
    out_shape=jax.ShapeDtypeStruct((_N, _DH), jnp.float32),
)


def kernel(x, edge_index, W1, b1, W2, b2):
    dst = edge_index[1].reshape(_NW, _NCH, _C)

    degp = _deg_call(edge_index)
    y1, dinv = _t1_call(x, W1, degp)
    agg1 = _gs_call(y1, edge_index, dst)
    y2 = _t2_call(agg1, y1, dinv, b1, W2)
    agg2 = _gs_call(y2, edge_index, dst)
    h = _t3_call(agg2, y2, dinv, b2)
    return h

# --- scband reference (transcript-rebuilt; emitter-appended) ---
"""Pipeline reference for scband-link-predictor-model-7834020348027 (READ-ONLY COPY).

The authoritative reference and input builder live on the scoring server;
editing this copy changes nothing except your own understanding.
"""

import jax, jax.numpy as jnp
import numpy as np

N = 10000
E = 320000
D_IN = 128
D_H = 64


def setup_inputs(seed: int = 0) -> dict:
    key = jax.random.key(seed)
    k1, k2, k3, k4 = jax.random.split(key, 4)
    x = jax.random.normal(k1, (N, D_IN), dtype=jnp.float32)
    edge_index = jax.random.randint(k2, (2, E), 0, N, dtype=jnp.int32)
    # GCNConv layer params (glorot-ish init)
    W1 = jax.random.normal(k3, (D_IN, D_H), dtype=jnp.float32) * (1.0 / np.sqrt(D_IN))
    b1 = jnp.zeros((D_H,), dtype=jnp.float32)
    W2 = jax.random.normal(k4, (D_H, D_H), dtype=jnp.float32) * (1.0 / np.sqrt(D_H))
    b2 = jnp.zeros((D_H,), dtype=jnp.float32)
    return {"x": x, "edge_index": edge_index, "W1": W1, "b1": b1, "W2": W2, "b2": b2}


def _gcn_layer(x, W, b, src, dst, num_nodes):
    # linear transform
    x_lin = x @ W
    # add self-loops
    loop = jnp.arange(num_nodes, dtype=src.dtype)
    src_f = jnp.concatenate([src, loop])
    dst_f = jnp.concatenate([dst, loop])
    # symmetric normalization: deg^{-1/2}[src] * deg^{-1/2}[dst]
    deg = jnp.zeros((num_nodes,), dtype=x_lin.dtype).at[dst_f].add(1.0)
    dinv = jax.lax.rsqrt(jnp.maximum(deg, 1e-12))
    norm = dinv[src_f] * dinv[dst_f]
    # gather messages, scale, scatter-add to destination nodes
    msgs = x_lin[src_f] * norm[:, None]
    out = jnp.zeros((num_nodes, x_lin.shape[1]), dtype=x_lin.dtype).at[dst_f].add(msgs)
    return out + b


def reference(x, edge_index, W1, b1, W2, b2):
    src = edge_index[0]
    dst = edge_index[1]
    h = _gcn_layer(x, W1, b1, src, dst, N)
    h = jax.nn.relu(h)
    # dropout p=0.0 (identity)
    h = _gcn_layer(h, W2, b2, src, dst, N)
    h = jax.nn.relu(h)
    return h

if __name__ == "__main__":
    import jax
    _d = setup_inputs()
    print(jax.jit(kernel)(*tuple(_d.values())))

</pallas_src>

<mosaic_0001>
#map = affine_map<(d0, d1) -> (0, 0)>
#map1 = affine_map<(d0, d1) -> (0, 0, 0)>
module attributes {stable_mosaic.version = 14 : i64} {
  func.func @_gs_body(%arg0: i32, %arg1: i32, %arg2: memref<10000x64xf32, #tpu.memory_space<hbm>>, %arg3: memref<2x320000xi32, #tpu.memory_space<hbm>>, %arg4: memref<32x125x80xi32, #tpu.memory_space<hbm>>, %arg5: memref<20000x64xf32, #tpu.memory_space<hbm>>, %arg6: memref<10000xi32, #tpu.memory_space<vmem>>, %arg7: memref<125x80xi32, #tpu.memory_space<vmem>>, %arg8: memref<10x80x64xf32, #tpu.memory_space<vmem>>, %arg9: memref<125x64xf32, #tpu.memory_space<vmem>>, %arg10: memref<10000x64xf32, #tpu.memory_space<vmem_shared>>, %arg11: memref<10x!tpu.dma_semaphore, #tpu.memory_space<semaphore_mem>>, %arg12: memref<10x!tpu.dma_semaphore, #tpu.memory_space<semaphore_mem>>, %arg13: memref<!tpu.dma_semaphore, #tpu.memory_space<semaphore_mem>>) attributes {dimension_semantics = [#tpu.dimension_semantics<core_parallel>, #tpu.dimension_semantics<subcore_parallel>], iteration_bounds = array<i64: 2, 16>, scalar_prefetch = 0 : i64, scratch_operands = 8 : i64, tpu.core_type = #tpu.core_type<sc_vector_subcore>, window_params = [{transform_indices = #map}, {transform_indices = #map}, {transform_indices = #map1}, {transform_indices = #map}]} {
    %mul3A = arith.constant 2 : i32
    %mul3A_0 = arith.muli %arg1, %mul3A : i32
    %add3A = arith.addi %mul3A_0, %arg0 : i32
    %mul3A_1 = arith.constant 10000 : i32
    %mul3A_2 = arith.muli %add3A, %mul3A_1 : i32
    %dma_start3A = arith.constant 0 : i32
    %dma_start3A_3 = tpu.memref_slice %arg3[%dma_start3A, %mul3A_2] : memref<2x320000xi32, #tpu.memory_space<hbm>> -> memref<1x10000xi32, #tpu.memory_space<hbm>>
    %dma_start3A_4 = tpu.memref_squeeze %dma_start3A_3 : memref<1x10000xi32, #tpu.memory_space<hbm>> -> memref<10000xi32, #tpu.memory_space<hbm>>
    %dma_start3A_5 = tpu.memref_slice %arg3[%dma_start3A, %mul3A_2] : memref<2x320000xi32, #tpu.memory_space<hbm>> -> memref<1x10000xi32, #tpu.memory_space<hbm>>
    %dma_start3A_6 = tpu.memref_squeeze %dma_start3A_5 : memref<1x10000xi32, #tpu.memory_space<hbm>> -> memref<10000xi32, #tpu.memory_space<hbm>>
    tpu.enqueue_dma source(%dma_start3A_6 : memref<10000xi32, #tpu.memory_space<hbm>>) target(%arg6 : memref<10000xi32, #tpu.memory_space<vmem>>) target_semaphore(%arg13 : memref<!tpu.dma_semaphore, #tpu.memory_space<semaphore_mem>>)
    %dma_start3A_7 = arith.constant 0 : i32
    %dma_start3A_8 = arith.constant 0 : i32
    %dma_start3A_9 = tpu.memref_slice %arg4[%add3A, %dma_start3A_7, %dma_start3A_8] : memref<32x125x80xi32, #tpu.memory_space<hbm>> -> memref<1x125x80xi32, #tpu.memory_space<hbm>>
    %dma_start3A_10 = tpu.memref_squeeze %dma_start3A_9 : memref<1x125x80xi32, #tpu.memory_space<hbm>> -> memref<125x80xi32, #tpu.memory_space<hbm>>
    %dma_start3A_11 = arith.constant 0 : i32
    %dma_start3A_12 = arith.constant 0 : i32
    %dma_start3A_13 = tpu.memref_slice %arg4[%add3A, %dma_start3A_11, %dma_start3A_12] : memref<32x125x80xi32, #tpu.memory_space<hbm>> -> memref<1x125x80xi32, #tpu.memory_space<hbm>>
    %dma_start3A_14 = tpu.memref_squeeze %dma_start3A_13 : memref<1x125x80xi32, #tpu.memory_space<hbm>> -> memref<125x80xi32, #tpu.memory_space<hbm>>
    tpu.enqueue_dma source(%dma_start3A_14 : memref<125x80xi32, #tpu.memory_space<hbm>>) target(%arg7 : memref<125x80xi32, #tpu.memory_space<vmem>>) target_semaphore(%arg13 : memref<!tpu.dma_semaphore, #tpu.memory_space<semaphore_mem>>)
    %dma_wait3A = arith.constant 0 : i32
    %dma_wait3A_15 = tpu.memref_slice %arg3[%dma_wait3A, %mul3A_2] : memref<2x320000xi32, #tpu.memory_space<hbm>> -> memref<1x10000xi32, #tpu.memory_space<hbm>>
    %dma_wait3A_16 = tpu.memref_squeeze %dma_wait3A_15 : memref<1x10000xi32, #tpu.memory_space<hbm>> -> memref<10000xi32, #tpu.memory_space<hbm>>
    %dma_wait3A_17 = tpu.memref_slice %arg3[%dma_wait3A, %mul3A_2] : memref<2x320000xi32, #tpu.memory_space<hbm>> -> memref<1x10000xi32, #tpu.memory_space<hbm>>
    %dma_wait3A_18 = tpu.memref_squeeze %dma_wait3A_17 : memref<1x10000xi32, #tpu.memory_space<hbm>> -> memref<10000xi32, #tpu.memory_space<hbm>>
    tpu.wait_dma2 semaphore(%arg13 : memref<!tpu.dma_semaphore, #tpu.memory_space<semaphore_mem>>) src(%dma_wait3A_18 : memref<10000xi32, #tpu.memory_space<hbm>>) dst(%arg6 : memref<10000xi32, #tpu.memory_space<vmem>>)
    %dma_start3A_19 = arith.constant 0 : i32
    %dma_start3A_20 = arith.constant 0 : i32
    %dma_start3A_21 = arith.constant 0 : i32
    %dma_start3A_22 = arith.constant 0 : i32
    %dma_start3A_23 = tpu.memref_slice %arg8[%dma_start3A_19, %dma_start3A_21, %dma_start3A_22] : memref<10x80x64xf32, #tpu.memory_space<vmem>> -> memref<1x80x64xf32, #tpu.memory_space<vmem>>
    %dma_start3A_24 = tpu.memref_squeeze %dma_start3A_23 : memref<1x80x64xf32, #tpu.memory_space<vmem>> -> memref<80x64xf32, #tpu.memory_space<vmem>>
    %dma_start3A_25 = arith.constant 0 : i32
    %dma_start3A_26 = tpu.memref_slice %arg6[%dma_start3A_25] : memref<10000xi32, #tpu.memory_space<vmem>> -> memref<80xi32, #tpu.memory_space<vmem>>
    %dma_start3A_27 = arith.constant 0 : i32
    %dma_start3A_28 = arith.constant 0 : i32
    %dma_start3A_29 = tpu.memref_slice %arg2[%dma_start3A_27, %dma_start3A_28] : memref<10000x64xf32, #tpu.memory_space<hbm>> -> memref<10000x64xf32, #tpu.memory_space<hbm>>
    %dma_start3A_30 = tpu.memref_slice %arg11[%dma_start3A_20] : memref<10x!tpu.dma_semaphore, #tpu.memory_space<semaphore_mem>> -> memref<1x!tpu.dma_semaphore, #tpu.memory_space<semaphore_mem>>
    %dma_start3A_31 = tpu.memref_squeeze %dma_start3A_30 : memref<1x!tpu.dma_semaphore, #tpu.memory_space<semaphore_mem>> -> memref<!tpu.dma_semaphore, #tpu.memory_space<semaphore_mem>>
    tpu.enqueue_indirect_dma source(%dma_start3A_29 : memref<10000x64xf32, #tpu.memory_space<hbm>>) target(%dma_start3A_24 : memref<80x64xf32, #tpu.memory_space<vmem>>) offsets(%dma_start3A_26 : memref<80xi32, #tpu.memory_space<vmem>>) semaphore(%dma_start3A_31 : memref<!tpu.dma_semaphore, #tpu.memory_space<semaphore_mem>>)
    %dma_start3A_32 = arith.constant 1 : i32
    %dma_start3A_33 = arith.constant 1 : i32
    %dma_start3A_34 = arith.constant 0 : i32
    %dma_start3A_35 = arith.constant 0 : i32
    %dma_start3A_36 = tpu.memref_slice %arg8[%dma_start3A_32, %dma_start3A_34, %dma_start3A_35] : memref<10x80x64xf32, #tpu.memory_space<vmem>> -> memref<1x80x64xf32, #tpu.memory_space<vmem>>
    %dma_start3A_37 = tpu.memref_squeeze %dma_start3A_36 : memref<1x80x64xf32, #tpu.memory_space<vmem>> -> memref<80x64xf32, #tpu.memory_space<vmem>>
    %dma_start3A_38 = arith.constant 80 : i32
    %dma_start3A_39 = tpu.memref_slice %arg6[%dma_start3A_38] : memref<10000xi32, #tpu.memory_space<vmem>> -> memref<80xi32, #tpu.memory_space<vmem>>
    %dma_start3A_40 = arith.constant 0 : i32
    %dma_start3A_41 = arith.constant 0 : i32
    %dma_start3A_42 = tpu.memref_slice %arg2[%dma_start3A_40, %dma_start3A_41] : memref<10000x64xf32, #tpu.memory_space<hbm>> -> memref<10000x64xf32, #tpu.memory_space<hbm>>
    %dma_start3A_43 = tpu.memref_slice %arg11[%dma_start3A_33] : memref<10x!tpu.dma_semaphore, #tpu.memory_space<semaphore_mem>> -> memref<1x!tpu.dma_semaphore, #tpu.memory_space<semaphore_mem>>
    %dma_start3A_44 = tpu.memref_squeeze %dma_start3A_43 : memref<1x!tpu.dma_semaphore, #tpu.memory_space<semaphore_mem>> -> memref<!tpu.dma_semaphore, #tpu.memory_space<semaphore_mem>>
    tpu.enqueue_indirect_dma source(%dma_start3A_42 : memref<10000x64xf32, #tpu.memory_space<hbm>>) target(%dma_start3A_37 : memref<80x64xf32, #tpu.memory_space<vmem>>) offsets(%dma_start3A_39 : memref<80xi32, #tpu.memory_space<vmem>>) semaphore(%dma_start3A_44 : memref<!tpu.dma_semaphore, #tpu.memory_space<semaphore_mem>>)
    %dma_start3A_45 = arith.constant 2 : i32
    %dma_start3A_46 = arith.constant 2 : i32
    %dma_start3A_47 = arith.constant 0 : i32
    %dma_start3A_48 = arith.constant 0 : i32
    %dma_start3A_49 = tpu.memref_slice %arg8[%dma_start3A_45, %dma_start3A_47, %dma_start3A_48] : memref<10x80x64xf32, #tpu.memory_space<vmem>> -> memref<1x80x64xf32, #tpu.memory_space<vmem>>
    %dma_start3A_50 = tpu.memref_squeeze %dma_start3A_49 : memref<1x80x64xf32, #tpu.memory_space<vmem>> -> memref<80x64xf32, #tpu.memory_space<vmem>>
    %dma_start3A_51 = arith.constant 160 : i32
    %dma_start3A_52 = tpu.memref_slice %arg6[%dma_start3A_51] : memref<10000xi32, #tpu.memory_space<vmem>> -> memref<80xi32, #tpu.memory_space<vmem>>
    %dma_start3A_53 = arith.constant 0 : i32
    %dma_start3A_54 = arith.constant 0 : i32
    %dma_start3A_55 = tpu.memref_slice %arg2[%dma_start3A_53, %dma_start3A_54] : memref<10000x64xf32, #tpu.memory_space<hbm>> -> memref<10000x64xf32, #tpu.memory_space<hbm>>
    %dma_start3A_56 = tpu.memref_slice %arg11[%dma_start3A_46] : memref<10x!tpu.dma_semaphore, #tpu.memory_space<semaphore_mem>> -> memref<1x!tpu.dma_semaphore, #tpu.memory_space<semaphore_mem>>
    %dma_start3A_57 = tpu.memref_squeeze %dma_start3A_56 : memref<1x!tpu.dma_semaphore, #tpu.memory_space<semaphore_mem>> -> memref<!tpu.dma_semaphore, #tpu.memory_space<semaphore_mem>>
    tpu.enqueue_indirect_dma source(%dma_start3A_55 : memref<10000x64xf32, #tpu.memory_space<hbm>>) target(%dma_start3A_50 : memref<80x64xf32, #tpu.memory_space<vmem>>) offsets(%dma_start3A_52 : memref<80xi32, #tpu.memory_space<vmem>>) semaphore(%dma_start3A_57 : memref<!tpu.dma_semaphore, #tpu.memory_space<semaphore_mem>>)
    %dma_start3A_58 = arith.constant 3 : i32
    %dma_start3A_59 = arith.constant 3 : i32
    %dma_start3A_60 = arith.constant 0 : i32
    %dma_start3A_61 = arith.constant 0 : i32
    %dma_start3A_62 = tpu.memref_slice %arg8[%dma_start3A_58, %dma_start3A_60, %dma_start3A_61] : memref<10x80x64xf32, #tpu.memory_space<vmem>> -> memref<1x80x64xf32, #tpu.memory_space<vmem>>
    %dma_start3A_63 = tpu.memref_squeeze %dma_start3A_62 : memref<1x80x64xf32, #tpu.memory_space<vmem>> -> memref<80x64xf32, #tpu.memory_space<vmem>>
    %dma_start3A_64 = arith.constant 240 : i32
    %dma_start3A_65 = tpu.memref_slice %arg6[%dma_start3A_64] : memref<10000xi32, #tpu.memory_space<vmem>> -> memref<80xi32, #tpu.memory_space<vmem>>
    %dma_start3A_66 = arith.constant 0 : i32
    %dma_start3A_67 = arith.constant 0 : i32
    %dma_start3A_68 = tpu.memref_slice %arg2[%dma_start3A_66, %dma_start3A_67] : memref<10000x64xf32, #tpu.memory_space<hbm>> -> memref<10000x64xf32, #tpu.memory_space<hbm>>
    %dma_start3A_69 = tpu.memref_slice %arg11[%dma_start3A_59] : memref<10x!tpu.dma_semaphore, #tpu.memory_space<semaphore_mem>> -> memref<1x!tpu.dma_semaphore, #tpu.memory_space<semaphore_mem>>
    %dma_start3A_70 = tpu.memref_squeeze %dma_start3A_69 : memref<1x!tpu.dma_semaphore, #tpu.memory_space<semaphore_mem>> -> memref<!tpu.dma_semaphore, #tpu.memory_space<semaphore_mem>>
    tpu.enqueue_indirect_dma source(%dma_start3A_68 : memref<10000x64xf32, #tpu.memory_space<hbm>>) target(%dma_start3A_63 : memref<80x64xf32, #tpu.memory_space<vmem>>) offsets(%dma_start3A_65 : memref<80xi32, #tpu.memory_space<vmem>>) semaphore(%dma_start3A_70 : memref<!tpu.dma_semaphore, #tpu.memory_space<semaphore_mem>>)
    %dma_start3A_71 = arith.constant 4 : i32
    %dma_start3A_72 = arith.constant 4 : i32
    %dma_start3A_73 = arith.constant 0 : i32
    %dma_start3A_74 = arith.constant 0 : i32
    %dma_start3A_75 = tpu.memref_slice %arg8[%dma_start3A_71, %dma_start3A_73, %dma_start3A_74] : memref<10x80x64xf32, #tpu.memory_space<vmem>> -> memref<1x80x64xf32, #tpu.memory_space<vmem>>
    %dma_start3A_76 = tpu.memref_squeeze %dma_start3A_75 : memref<1x80x64xf32, #tpu.memory_space<vmem>> -> memref<80x64xf32, #tpu.memory_space<vmem>>
    %dma_start3A_77 = arith.constant 320 : i32
    %dma_start3A_78 = tpu.memref_slice %arg6[%dma_start3A_77] : memref<10000xi32, #tpu.memory_space<vmem>> -> memref<80xi32, #tpu.memory_space<vmem>>
    %dma_start3A_79 = arith.constant 0 : i32
    %dma_start3A_80 = arith.constant 0 : i32
    %dma_start3A_81 = tpu.memref_slice %arg2[%dma_start3A_79, %dma_start3A_80] : memref<10000x64xf32, #tpu.memory_space<hbm>> -> memref<10000x64xf32, #tpu.memory_space<hbm>>
    %dma_start3A_82 = tpu.memref_slice %arg11[%dma_start3A_72] : memref<10x!tpu.dma_semaphore, #tpu.memory_space<semaphore_mem>> -> memref<1x!tpu.dma_semaphore, #tpu.memory_space<semaphore_mem>>
    %dma_start3A_83 = tpu.memref_squeeze %dma_start3A_82 : memref<1x!tpu.dma_semaphore, #tpu.memory_space<semaphore_mem>> -> memref<!tpu.dma_semaphore, #tpu.memory_space<semaphore_mem>>
    tpu.enqueue_indirect_dma source(%dma_start3A_81 : memref<10000x64xf32, #tpu.memory_space<hbm>>) target(%dma_start3A_76 : memref<80x64xf32, #tpu.memory_space<vmem>>) offsets(%dma_start3A_78 : memref<80xi32, #tpu.memory_space<vmem>>) semaphore(%dma_start3A_83 : memref<!tpu.dma_semaphore, #tpu.memory_space<semaphore_mem>>)
    %dma_start3A_84 = arith.constant 5 : i32
    %dma_start3A_85 = arith.constant 5 : i32
    %dma_start3A_86 = arith.constant 0 : i32
    %dma_start3A_87 = arith.constant 0 : i32
    %dma_start3A_88 = tpu.memref_slice %arg8[%dma_start3A_84, %dma_start3A_86, %dma_start3A_87] : memref<10x80x64xf32, #tpu.memory_space<vmem>> -> memref<1x80x64xf32, #tpu.memory_space<vmem>>
    %dma_start3A_89 = tpu.memref_squeeze %dma_start3A_88 : memref<1x80x64xf32, #tpu.memory_space<vmem>> -> memref<80x64xf32, #tpu.memory_space<vmem>>
    %dma_start3A_90 = arith.constant 400 : i32
    %dma_start3A_91 = tpu.memref_slice %arg6[%dma_start3A_90] : memref<10000xi32, #tpu.memory_space<vmem>> -> memref<80xi32, #tpu.memory_space<vmem>>
    %dma_start3A_92 = arith.constant 0 : i32
    %dma_start3A_93 = arith.constant 0 : i32
    %dma_start3A_94 = tpu.memref_slice %arg2[%dma_start3A_92, %dma_start3A_93] : memref<10000x64xf32, #tpu.memory_space<hbm>> -> memref<10000x64xf32, #tpu.memory_space<hbm>>
    %dma_start3A_95 = tpu.memref_slice %arg11[%dma_start3A_85] : memref<10x!tpu.dma_semaphore, #tpu.memory_space<semaphore_mem>> -> memref<1x!tpu.dma_semaphore, #tpu.memory_space<semaphore_mem>>
    %dma_start3A_96 = tpu.memref_squeeze %dma_start3A_95 : memref<1x!tpu.dma_semaphore, #tpu.memory_space<semaphore_mem>> -> memref<!tpu.dma_semaphore, #tpu.memory_space<semaphore_mem>>
    tpu.enqueue_indirect_dma source(%dma_start3A_94 : memref<10000x64xf32, #tpu.memory_space<hbm>>) target(%dma_start3A_89 : memref<80x64xf32, #tpu.memory_space<vmem>>) offsets(%dma_start3A_91 : memref<80xi32, #tpu.memory_space<vmem>>) semaphore(%dma_start3A_96 : memref<!tpu.dma_semaphore, #tpu.memory_space<semaphore_mem>>)
    %dma_start3A_97 = arith.constant 6 : i32
    %dma_start3A_98 = arith.constant 6 : i32
    %dma_start3A_99 = arith.constant 0 : i32
    %dma_start3A_100 = arith.constant 0 : i32
    %dma_start3A_101 = tpu.memref_slice %arg8[%dma_start3A_97, %dma_start3A_99, %dma_start3A_100] : memref<10x80x64xf32, #tpu.memory_space<vmem>> -> memref<1x80x64xf32, #tpu.memory_space<vmem>>
    %dma_start3A_102 = tpu.memref_squeeze %dma_start3A_101 : memref<1x80x64xf32, #tpu.memory_space<vmem>> -> memref<80x64xf32, #tpu.memory_space<vmem>>
    %dma_start3A_103 = arith.constant 480 : i32
    %dma_start3A_104 = tpu.memref_slice %arg6[%dma_start3A_103] : memref<10000xi32, #tpu.memory_space<vmem>> -> memref<80xi32, #tpu.memory_space<vmem>>
    %dma_start3A_105 = arith.constant 0 : i32
    %dma_start3A_106 = arith.constant 0 : i32
    %dma_start3A_107 = tpu.memref_slice %arg2[%dma_start3A_105, %dma_start3A_106] : memref<10000x64xf32, #tpu.memory_space<hbm>> -> memref<10000x64xf32, #tpu.memory_space<hbm>>
    %dma_start3A_108 = tpu.memref_slice %arg11[%dma_start3A_98] : memref<10x!tpu.dma_semaphore, #tpu.memory_space<semaphore_mem>> -> memref<1x!tpu.dma_semaphore, #tpu.memory_space<semaphore_mem>>
    %dma_start3A_109 = tpu.memref_squeeze %dma_start3A_108 : memref<1x!tpu.dma_semaphore, #tpu.memory_space<semaphore_mem>> -> memref<!tpu.dma_semaphore, #tpu.memory_space<semaphore_mem>>
    tpu.enqueue_indirect_dma source(%dma_start3A_107 : memref<10000x64xf32, #tpu.memory_space<hbm>>) target(%dma_start3A_102 : memref<80x64xf32, #tpu.memory_space<vmem>>) offsets(%dma_start3A_104 : memref<80xi32, #tpu.memory_space<vmem>>) semaphore(%dma_start3A_109 : memref<!tpu.dma_semaphore, #tpu.memory_space<semaphore_mem>>)
    %dma_start3A_110 = arith.constant 7 : i32
    %dma_start3A_111 = arith.constant 7 : i32
    %dma_start3A_112 = arith.constant 0 : i32
    %dma_start3A_113 = arith.constant 0 : i32
    %dma_start3A_114 = tpu.memref_slice %arg8[%dma_start3A_110, %dma_start3A_112, %dma_start3A_113] : memref<10x80x64xf32, #tpu.memory_space<vmem>> -> memref<1x80x64xf32, #tpu.memory_space<vmem>>
    %dma_start3A_115 = tpu.memref_squeeze %dma_start3A_114 : memref<1x80x64xf32, #tpu.memory_space<vmem>> -> memref<80x64xf32, #tpu.memory_space<vmem>>
    %dma_start3A_116 = arith.constant 560 : i32
    %dma_start3A_117 = tpu.memref_slice %arg6[%dma_start3A_116] : memref<10000xi32, #tpu.memory_space<vmem>> -> memref<80xi32, #tpu.memory_space<vmem>>
    %dma_start3A_118 = arith.constant 0 : i32
    %dma_start3A_119 = arith.constant 0 : i32
    %dma_start3A_120 = tpu.memref_slice %arg2[%dma_start3A_118, %dma_start3A_119] : memref<10000x64xf32, #tpu.memory_space<hbm>> -> memref<10000x64xf32, #tpu.memory_space<hbm>>
    %dma_start3A_121 = tpu.memref_slice %arg11[%dma_start3A_111] : memref<10x!tpu.dma_semaphore, #tpu.memory_space<semaphore_mem>> -> memref<1x!tpu.dma_semaphore, #tpu.memory_space<semaphore_mem>>
    %dma_start3A_122 = tpu.memref_squeeze %dma_start3A_121 : memref<1x!tpu.dma_semaphore, #tpu.memory_space<semaphore_mem>> -> memref<!tpu.dma_semaphore, #tpu.memory_space<semaphore_mem>>
    tpu.enqueue_indirect_dma source(%dma_start3A_120 : memref<10000x64xf32, #tpu.memory_space<hbm>>) target(%dma_start3A_115 : memref<80x64xf32, #tpu.memory_space<vmem>>) offsets(%dma_start3A_117 : memref<80xi32, #tpu.memory_space<vmem>>) semaphore(%dma_start3A_122 : memref<!tpu.dma_semaphore, #tpu.memory_space<semaphore_mem>>)
    %dma_start3A_123 = arith.constant 8 : i32
    %dma_start3A_124 = arith.constant 8 : i32
    %dma_start3A_125 = arith.constant 0 : i32
    %dma_start3A_126 = arith.constant 0 : i32
    %dma_start3A_127 = tpu.memref_slice %arg8[%dma_start3A_123, %dma_start3A_125, %dma_start3A_126] : memref<10x80x64xf32, #tpu.memory_space<vmem>> -> memref<1x80x64xf32, #tpu.memory_space<vmem>>
    %dma_start3A_128 = tpu.memref_squeeze %dma_start3A_127 : memref<1x80x64xf32, #tpu.memory_space<vmem>> -> memref<80x64xf32, #tpu.memory_space<vmem>>
    %dma_start3A_129 = arith.constant 640 : i32
    %dma_start3A_130 = tpu.memref_slice %arg6[%dma_start3A_129] : memref<10000xi32, #tpu.memory_space<vmem>> -> memref<80xi32, #tpu.memory_space<vmem>>
    %dma_start3A_131 = arith.constant 0 : i32
    %dma_start3A_132 = arith.constant 0 : i32
    %dma_start3A_133 = tpu.memref_slice %arg2[%dma_start3A_131, %dma_start3A_132] : memref<10000x64xf32, #tpu.memory_space<hbm>> -> memref<10000x64xf32, #tpu.memory_space<hbm>>
    %dma_start3A_134 = tpu.memref_slice %arg11[%dma_start3A_124] : memref<10x!tpu.dma_semaphore, #tpu.memory_space<semaphore_mem>> -> memref<1x!tpu.dma_semaphore, #tpu.memory_space<semaphore_mem>>
    %dma_start3A_135 = tpu.memref_squeeze %dma_start3A_134 : memref<1x!tpu.dma_semaphore, #tpu.memory_space<semaphore_mem>> -> memref<!tpu.dma_semaphore, #tpu.memory_space<semaphore_mem>>
    tpu.enqueue_indirect_dma source(%dma_start3A_133 : memref<10000x64xf32, #tpu.memory_space<hbm>>) target(%dma_start3A_128 : memref<80x64xf32, #tpu.memory_space<vmem>>) offsets(%dma_start3A_130 : memref<80xi32, #tpu.memory_space<vmem>>) semaphore(%dma_start3A_135 : memref<!tpu.dma_semaphore, #tpu.memory_space<semaphore_mem>>)
    %broadcast_in_dim3A = arith.constant 0.000000e+00 : f32
    %broadcast_in_dim3A_136 = vector.broadcast %broadcast_in_dim3A : f32 to vector<16xf32>
    %scan3A = arith.constant 0 : i32
    %scan3A_137 = arith.constant 0 : i32
    %scan3A_138 = arith.constant 125 : i32
    %scan3A_139 = arith.addi %scan3A_137, %scan3A_138 : i32
    %scan3A_140 = arith.constant 1 : i32
    %scan3A_141 = scf.for %scan3A_188 = %scan3A_137 to %scan3A_139 step %scan3A_140 iter_args(%scan3A_189 = %scan3A) -> (i32)  : i32 {
      %swap3A = arith.index_cast %scan3A_188 : i32 to index
      %swap3A_190 = arith.constant 0 : index
      %swap3A_191 = tpu.vector_load %arg9[%swap3A, %swap3A_190] {strides = array<i32>} : memref<125x64xf32, #tpu.memory_space<vmem>>, vector<1x16xf32>,
      %swap3A_192 = vector.shape_cast %swap3A_191 : vector<1x16xf32> to vector<16xf32>
      %swap3A_193 = vector.shape_cast %broadcast_in_dim3A_136 : vector<16xf32> to vector<1x16xf32>
      tpu.vector_store %arg9[%swap3A, %swap3A_190], %swap3A_193 {strides = array<i32>} : memref<125x64xf32, #tpu.memory_space<vmem>>, vector<1x16xf32>,
      %swap3A_194 = arith.index_cast %scan3A_188 : i32 to index
      %swap3A_195 = arith.constant 16 : index
      %swap3A_196 = tpu.vector_load %arg9[%swap3A_194, %swap3A_195] {strides = array<i32>} : memref<125x64xf32, #tpu.memory_space<vmem>>, vector<1x16xf32>,
      %swap3A_197 = vector.shape_cast %swap3A_196 : vector<1x16xf32> to vector<16xf32>
      %swap3A_198 = vector.shape_cast %broadcast_in_dim3A_136 : vector<16xf32> to vector<1x16xf32>
      tpu.vector_store %arg9[%swap3A_194, %swap3A_195], %swap3A_198 {strides = array<i32>} : memref<125x64xf32, #tpu.memory_space<vmem>>, vector<1x16xf32>,
      %swap3A_199 = arith.index_cast %scan3A_188 : i32 to index
      %swap3A_200 = arith.constant 32 : index
      %swap3A_201 = tpu.vector_load %arg9[%swap3A_199, %swap3A_200] {strides = array<i32>} : memref<125x64xf32, #tpu.memory_space<vmem>>, vector<1x16xf32>,
      %swap3A_202 = vector.shape_cast %swap3A_201 : vector<1x16xf32> to vector<16xf32>
      %swap3A_203 = vector.shape_cast %broadcast_in_dim3A_136 : vector<16xf32> to vector<1x16xf32>
      tpu.vector_store %arg9[%swap3A_199, %swap3A_200], %swap3A_203 {strides = array<i32>} : memref<125x64xf32, #tpu.memory_space<vmem>>, vector<1x16xf32>,
      %swap3A_204 = arith.index_cast %scan3A_188 : i32 to index
      %swap3A_205 = arith.constant 48 : index
      %swap3A_206 = tpu.vector_load %arg9[%swap3A_204, %swap3A_205] {strides = array<i32>} : memref<125x64xf32, #tpu.memory_space<vmem>>, vector<1x16xf32>,
      %swap3A_207 = vector.shape_cast %swap3A_206 : vector<1x16xf32> to vector<16xf32>
      %swap3A_208 = vector.shape_cast %broadcast_in_dim3A_136 : vector<16xf32> to vector<1x16xf32>
      tpu.vector_store %arg9[%swap3A_204, %swap3A_205], %swap3A_208 {strides = array<i32>} : memref<125x64xf32, #tpu.memory_space<vmem>>, vector<1x16xf32>,
      %scan3A_209 = arith.constant 0 : i32
      scf.yield %scan3A_209 : i32
    }
    %scan3A_142 = arith.constant 125 : i32
    %scan3A_143 = arith.constant 0 : i32
    %scan3A_144 = arith.constant 0 : i32
    %scan3A_145 = arith.constant 5 : i32
    %scan3A_146 = arith.addi %scan3A_144, %scan3A_145 : i32
    %scan3A_147 = arith.constant 1 : i32
    %scan3A_148 = scf.for %scan3A_188 = %scan3A_144 to %scan3A_146 step %scan3A_147 iter_args(%scan3A_189 = %scan3A_143) -> (i32)  : i32 {
      %mul3A_190 = arith.constant 625 : i32
      %mul3A_191 = arith.muli %arg1, %mul3A_190 : i32
      %mul3A_192 = arith.constant 125 : i32
      %mul3A_193 = arith.muli %scan3A_188, %mul3A_192 : i32
      %add3A_194 = arith.addi %mul3A_191, %mul3A_193 : i32
      "tpu.region"() ({
        %run_scoped3A = tpu.sem_alloc : memref<!tpu.dma_semaphore, #tpu.memory_space<semaphore_mem>>
        %dma_start3A_196 = arith.constant 0 : i32
        %dma_start3A_197 = tpu.memref_slice %arg10[%add3A_194, %dma_start3A_196] : memref<10000x64xf32, #tpu.memory_space<vmem_shared>> -> memref<125x64xf32, #tpu.memory_space<vmem_shared>>
        %dma_start3A_198 = arith.constant 0 : i32
        %dma_start3A_199 = tpu.memref_slice %arg10[%add3A_194, %dma_start3A_198] : memref<10000x64xf32, #tpu.memory_space<vmem_shared>> -> memref<125x64xf32, #tpu.memory_space<vmem_shared>>
        tpu.enqueue_dma source(%arg9 : memref<125x64xf32, #tpu.memory_space<vmem>>) target(%dma_start3A_199 : memref<125x64xf32, #tpu.memory_space<vmem_shared>>) target_semaphore(%run_scoped3A : memref<!tpu.dma_semaphore, #tpu.memory_space<semaphore_mem>>)
        %dma_wait3A_200 = arith.constant 0 : i32
        %dma_wait3A_201 = tpu.memref_slice %arg10[%add3A_194, %dma_wait3A_200] : memref<10000x64xf32, #tpu.memory_space<vmem_shared>> -> memref<125x64xf32, #tpu.memory_space<vmem_shared>>
        %dma_wait3A_202 = arith.constant 0 : i32
        %dma_wait3A_203 = tpu.memref_slice %arg10[%add3A_194, %dma_wait3A_202] : memref<10000x64xf32, #tpu.memory_space<vmem_shared>> -> memref<125x64xf32, #tpu.memory_space<vmem_shared>>
        tpu.wait_dma2 semaphore(%run_scoped3A : memref<!tpu.dma_semaphore, #tpu.memory_space<semaphore_mem>>) src(%arg9 : memref<125x64xf32, #tpu.memory_space<vmem>>) dst(%dma_wait3A_203 : memref<125x64xf32, #tpu.memory_space<vmem_shared>>)
        tpu.yield
      }) : () -> ()
      %scan3A_195 = arith.constant 0 : i32
      scf.yield %scan3A_195 : i32
    }
    %scan3A_149 = arith.constant 5 : i32
    %dma_wait3A_150 = arith.constant 0 : i32
    %dma_wait3A_151 = arith.constant 0 : i32
    %dma_wait3A_152 = tpu.memref_slice %arg4[%add3A, %dma_wait3A_150, %dma_wait3A_151] : memref<32x125x80xi32, #tpu.memory_space<hbm>> -> memref<1x125x80xi32, #tpu.memory_space<hbm>>
    %dma_wait3A_153 = tpu.memref_squeeze %dma_wait3A_152 : memref<1x125x80xi32, #tpu.memory_space<hbm>> -> memref<125x80xi32, #tpu.memory_space<hbm>>
    %dma_wait3A_154 = arith.constant 0 : i32
    %dma_wait3A_155 = arith.constant 0 : i32
    %dma_wait3A_156 = tpu.memref_slice %arg4[%add3A, %dma_wait3A_154, %dma_wait3A_155] : memref<32x125x80xi32, #tpu.memory_space<hbm>> -> memref<1x125x80xi32, #tpu.memory_space<hbm>>
    %dma_wait3A_157 = tpu.memref_squeeze %dma_wait3A_156 : memref<1x125x80xi32, #tpu.memory_space<hbm>> -> memref<125x80xi32, #tpu.memory_space<hbm>>
    tpu.wait_dma2 semaphore(%arg13 : memref<!tpu.dma_semaphore, #tpu.memory_space<semaphore_mem>>) src(%dma_wait3A_157 : memref<125x80xi32, #tpu.memory_space<hbm>>) dst(%arg7 : memref<125x80xi32, #tpu.memory_space<vmem>>)
    %barrier3A = arith.constant 0 : index
    tpu.barrier barrier_id(%barrier3A)
    %scan3A_158 = arith.constant 0 : i32
    %scan3A_159 = arith.constant 0 : i32
    %scan3A_160 = arith.constant 125 : i32
    %scan3A_161 = arith.addi %scan3A_159, %scan3A_160 : i32
    %scan3A_162 = arith.constant 1 : i32
    %scan3A_163 = scf.for %scan3A_188 = %scan3A_159 to %scan3A_161 step %scan3A_162 iter_args(%scan3A_189 = %scan3A_158) -> (i32)  : i32 {
      %rem3A = arith.constant 10 : i32
      %rem3A_190 = arith.remsi %scan3A_188, %rem3A : i32
      %add3A_191 = arith.constant 10 : i32
      %add3A_192 = arith.addi %scan3A_188, %add3A_191 : i32
      %sub3A = arith.constant 1 : i32
      %sub3A_193 = arith.subi %add3A_192, %sub3A : i32
      %rem3A_194 = arith.constant 10 : i32
      %rem3A_195 = arith.remsi %sub3A_193, %rem3A_194 : i32
      %dma_wait3A_196 = arith.constant 0 : i32
      %dma_wait3A_197 = arith.constant 0 : i32
      %dma_wait3A_198 = tpu.memref_slice %arg8[%rem3A_190, %dma_wait3A_196, %dma_wait3A_197] : memref<10x80x64xf32, #tpu.memory_space<vmem>> -> memref<1x80x64xf32, #tpu.memory_space<vmem>>
      %dma_wait3A_199 = tpu.memref_squeeze %dma_wait3A_198 : memref<1x80x64xf32, #tpu.memory_space<vmem>> -> memref<80x64xf32, #tpu.memory_space<vmem>>
      %dma_wait3A_200 = arith.constant 0 : i32
      %dma_wait3A_201 = tpu.memref_slice %arg6[%dma_wait3A_200] : memref<10000xi32, #tpu.memory_space<vmem>> -> memref<80xi32, #tpu.memory_space<vmem>>
      %dma_wait3A_202 = arith.constant 0 : i32
      %dma_wait3A_203 = arith.constant 0 : i32
      %dma_wait3A_204 = tpu.memref_slice %arg2[%dma_wait3A_202, %dma_wait3A_203] : memref<10000x64xf32, #tpu.memory_space<hbm>> -> memref<10000x64xf32, #tpu.memory_space<hbm>>
      %dma_wait3A_205 = tpu.memref_slice %arg11[%rem3A_190] : memref<10x!tpu.dma_semaphore, #tpu.memory_space<semaphore_mem>> -> memref<1x!tpu.dma_semaphore, #tpu.memory_space<semaphore_mem>>
      %dma_wait3A_206 = tpu.memref_squeeze %dma_wait3A_205 : memref<1x!tpu.dma_semaphore, #tpu.memory_space<semaphore_mem>> -> memref<!tpu.dma_semaphore, #tpu.memory_space<semaphore_mem>>
      tpu.wait_indirect_dma semaphore(%dma_wait3A_206 : memref<!tpu.dma_semaphore, #tpu.memory_space<semaphore_mem>>) src(%dma_wait3A_204 : memref<10000x64xf32, #tpu.memory_space<hbm>>) dst(%dma_wait3A_199 : memref<80x64xf32, #tpu.memory_space<vmem>>)
      %dma_start3A_207 = arith.constant 0 : i32
      %dma_start3A_208 = arith.constant 0 : i32
      %dma_start3A_209 = tpu.memref_slice %arg8[%rem3A_190, %dma_start3A_207, %dma_start3A_208] : memref<10x80x64xf32, #tpu.memory_space<vmem>> -> memref<1x80x64xf32, #tpu.memory_space<vmem>>
      %dma_start3A_210 = tpu.memref_squeeze %dma_start3A_209 : memref<1x80x64xf32, #tpu.memory_space<vmem>> -> memref<80x64xf32, #tpu.memory_space<vmem>>
      %dma_start3A_211 = arith.constant 0 : i32
      %dma_start3A_212 = tpu.memref_slice %arg7[%scan3A_188, %dma_start3A_211] : memref<125x80xi32, #tpu.memory_space<vmem>> -> memref<1x80xi32, #tpu.memory_space<vmem>>
      %dma_start3A_213 = tpu.memref_squeeze %dma_start3A_212 : memref<1x80xi32, #tpu.memory_space<vmem>> -> memref<80xi32, #tpu.memory_space<vmem>>
      %dma_start3A_214 = arith.constant 0 : i32
      %dma_start3A_215 = arith.constant 0 : i32
      %dma_start3A_216 = tpu.memref_slice %arg10[%dma_start3A_214, %dma_start3A_215] : memref<10000x64xf32, #tpu.memory_space<vmem_shared>> -> memref<10000x64xf32, #tpu.memory_space<vmem_shared>>
      %dma_start3A_217 = tpu.memref_slice %arg12[%rem3A_190] : memref<10x!tpu.dma_semaphore, #tpu.memory_space<semaphore_mem>> -> memref<1x!tpu.dma_semaphore, #tpu.memory_space<semaphore_mem>>
      %dma_start3A_218 = tpu.memref_squeeze %dma_start3A_217 : memref<1x!tpu.dma_semaphore, #tpu.memory_space<semaphore_mem>> -> memref<!tpu.dma_semaphore, #tpu.memory_space<semaphore_mem>>
      tpu.enqueue_indirect_dma source(%dma_start3A_210 : memref<80x64xf32, #tpu.memory_space<vmem>>) target(%dma_start3A_216 : memref<10000x64xf32, #tpu.memory_space<vmem_shared>>) offsets(%dma_start3A_213 : memref<80xi32, #tpu.memory_space<vmem>>) semaphore(%dma_start3A_218 : memref<!tpu.dma_semaphore, #tpu.memory_space<semaphore_mem>>) {add = true}
      %gt3A = arith.constant 0 : i32
      %gt3A_219 = arith.cmpi sgt, %scan3A_188, %gt3A : i32
      %convert_element_type3A = arith.extui %gt3A_219 : i1 to i32
      %cond3A = arith.constant 0 : i32
      %cond3A_220 = arith.cmpi ne, %convert_element_type3A, %cond3A : i32
      scf.if %cond3A_220 {
        %dma_wait3A_226 = arith.constant 0 : i32
        %dma_wait3A_227 = arith.constant 0 : i32
        %dma_wait3A_228 = arith.constant 0 : i32
        %dma_wait3A_229 = tpu.memref_slice %arg8[%rem3A_195, %dma_wait3A_227, %dma_wait3A_228] : memref<10x80x64xf32, #tpu.memory_space<vmem>> -> memref<1x80x64xf32, #tpu.memory_space<vmem>>
        %dma_wait3A_230 = tpu.memref_squeeze %dma_wait3A_229 : memref<1x80x64xf32, #tpu.memory_space<vmem>> -> memref<80x64xf32, #tpu.memory_space<vmem>>
        %dma_wait3A_231 = arith.constant 0 : i32
        %dma_wait3A_232 = tpu.memref_slice %arg7[%dma_wait3A_226, %dma_wait3A_231] : memref<125x80xi32, #tpu.memory_space<vmem>> -> memref<1x80xi32, #tpu.memory_space<vmem>>
        %dma_wait3A_233 = tpu.memref_squeeze %dma_wait3A_232 : memref<1x80xi32, #tpu.memory_space<vmem>> -> memref<80xi32, #tpu.memory_space<vmem>>
        %dma_wait3A_234 = arith.constant 0 : i32
        %dma_wait3A_235 = arith.constant 0 : i32
        %dma_wait3A_236 = tpu.memref_slice %arg10[%dma_wait3A_234, %dma_wait3A_235] : memref<10000x64xf32, #tpu.memory_space<vmem_shared>> -> memref<10000x64xf32, #tpu.memory_space<vmem_shared>>
        %dma_wait3A_237 = tpu.memref_slice %arg12[%rem3A_195] : memref<10x!tpu.dma_semaphore, #tpu.memory_space<semaphore_mem>> -> memref<1x!tpu.dma_semaphore, #tpu.memory_space<semaphore_mem>>
        %dma_wait3A_238 = tpu.memref_squeeze %dma_wait3A_237 : memref<1x!tpu.dma_semaphore, #tpu.memory_space<semaphore_mem>> -> memref<!tpu.dma_semaphore, #tpu.memory_space<semaphore_mem>>
        tpu.wait_indirect_dma semaphore(%dma_wait3A_238 : memref<!tpu.dma_semaphore, #tpu.memory_space<semaphore_mem>>) src(%dma_wait3A_230 : memref<80x64xf32, #tpu.memory_space<vmem>>) dst(%dma_wait3A_236 : memref<10000x64xf32, #tpu.memory_space<vmem_shared>>)
      } else {
      }
      %lt3A = arith.constant 116 : i32
      %lt3A_221 = arith.cmpi slt, %scan3A_188, %lt3A : i32
      %convert_element_type3A_222 = arith.extui %lt3A_221 : i1 to i32
      %cond3A_223 = arith.constant 0 : i32
      %cond3A_224 = arith.cmpi ne, %convert_element_type3A_222, %cond3A_223 : i32
      scf.if %cond3A_224 {
        %add3A_226 = arith.constant 10 : i32
        %add3A_227 = arith.addi %scan3A_188, %add3A_226 : i32
        %sub3A_228 = arith.constant 1 : i32
        %sub3A_229 = arith.subi %add3A_227, %sub3A_228 : i32
        %mul3A_230 = arith.constant 80 : i32
        %mul3A_231 = arith.muli %sub3A_229, %mul3A_230 : i32
        %dma_start3A_232 = arith.constant 0 : i32
        %dma_start3A_233 = arith.constant 0 : i32
        %dma_start3A_234 = tpu.memref_slice %arg8[%rem3A_195, %dma_start3A_232, %dma_start3A_233] : memref<10x80x64xf32, #tpu.memory_space<vmem>> -> memref<1x80x64xf32, #tpu.memory_space<vmem>>
        %dma_start3A_235 = tpu.memref_squeeze %dma_start3A_234 : memref<1x80x64xf32, #tpu.memory_space<vmem>> -> memref<80x64xf32, #tpu.memory_space<vmem>>
        %dma_start3A_236 = tpu.memref_slice %arg6[%mul3A_231] : memref<10000xi32, #tpu.memory_space<vmem>> -> memref<80xi32, #tpu.memory_space<vmem>>
        %dma_start3A_237 = arith.constant 0 : i32
        %dma_start3A_238 = arith.constant 0 : i32
        %dma_start3A_239 = tpu.memref_slice %arg2[%dma_start3A_237, %dma_start3A_238] : memref<10000x64xf32, #tpu.memory_space<hbm>> -> memref<10000x64xf32, #tpu.memory_space<hbm>>
        %dma_start3A_240 = tpu.memref_slice %arg11[%rem3A_195] : memref<10x!tpu.dma_semaphore, #tpu.memory_space<semaphore_mem>> -> memref<1x!tpu.dma_semaphore, #tpu.memory_space<semaphore_mem>>
        %dma_start3A_241 = tpu.memref_squeeze %dma_start3A_240 : memref<1x!tpu.dma_semaphore, #tpu.memory_space<semaphore_mem>> -> memref<!tpu.dma_semaphore, #tpu.memory_space<semaphore_mem>>
        tpu.enqueue_indirect_dma source(%dma_start3A_239 : memref<10000x64xf32, #tpu.memory_space<hbm>>) target(%dma_start3A_235 : memref<80x64xf32, #tpu.memory_space<vmem>>) offsets(%dma_start3A_236 : memref<80xi32, #tpu.memory_space<vmem>>) semaphore(%dma_start3A_241 : memref<!tpu.dma_semaphore, #tpu.memory_space<semaphore_mem>>)
      } else {
      }
      %scan3A_225 = arith.constant 0 : i32
      scf.yield %scan3A_225 : i32
    }
    %scan3A_164 = arith.constant 125 : i32
    %dma_wait3A_165 = arith.constant 4 : i32
    %dma_wait3A_166 = arith.constant 0 : i32
    %dma_wait3A_167 = arith.constant 4 : i32
    %dma_wait3A_168 = arith.constant 0 : i32
    %dma_wait3A_169 = arith.constant 0 : i32
    %dma_wait3A_170 = tpu.memref_slice %arg8[%dma_wait3A_165, %dma_wait3A_168, %dma_wait3A_169] : memref<10x80x64xf32, #tpu.memory_space<vmem>> -> memref<1x80x64xf32, #tpu.memory_space<vmem>>
    %dma_wait3A_171 = tpu.memref_squeeze %dma_wait3A_170 : memref<1x80x64xf32, #tpu.memory_space<vmem>> -> memref<80x64xf32, #tpu.memory_space<vmem>>
    %dma_wait3A_172 = arith.constant 0 : i32
    %dma_wait3A_173 = tpu.memref_slice %arg7[%dma_wait3A_166, %dma_wait3A_172] : memref<125x80xi32, #tpu.memory_space<vmem>> -> memref<1x80xi32, #tpu.memory_space<vmem>>
    %dma_wait3A_174 = tpu.memref_squeeze %dma_wait3A_173 : memref<1x80xi32, #tpu.memory_space<vmem>> -> memref<80xi32, #tpu.memory_space<vmem>>
    %dma_wait3A_175 = arith.constant 0 : i32
    %dma_wait3A_176 = arith.constant 0 : i32
    %dma_wait3A_177 = tpu.memref_slice %arg10[%dma_wait3A_175, %dma_wait3A_176] : memref<10000x64xf32, #tpu.memory_space<vmem_shared>> -> memref<10000x64xf32, #tpu.memory_space<vmem_shared>>
    %dma_wait3A_178 = tpu.memref_slice %arg12[%dma_wait3A_167] : memref<10x!tpu.dma_semaphore, #tpu.memory_space<semaphore_mem>> -> memref<1x!tpu.dma_semaphore, #tpu.memory_space<semaphore_mem>>
    %dma_wait3A_179 = tpu.memref_squeeze %dma_wait3A_178 : memref<1x!tpu.dma_semaphore, #tpu.memory_space<semaphore_mem>> -> memref<!tpu.dma_semaphore, #tpu.memory_space<semaphore_mem>>
    tpu.wait_indirect_dma semaphore(%dma_wait3A_179 : memref<!tpu.dma_semaphore, #tpu.memory_space<semaphore_mem>>) src(%dma_wait3A_171 : memref<80x64xf32, #tpu.memory_space<vmem>>) dst(%dma_wait3A_177 : memref<10000x64xf32, #tpu.memory_space<vmem_shared>>)
    %barrier3A_180 = arith.constant 0 : index
    tpu.barrier barrier_id(%barrier3A_180)
    %mul3A_181 = arith.constant 625 : i32
    %mul3A_182 = arith.muli %arg1, %mul3A_181 : i32
    %mul3A_183 = arith.constant 10000 : i32
    %mul3A_184 = arith.muli %arg0, %mul3A_183 : i32
    %mul3A_185 = arith.constant 625 : i32
    %mul3A_186 = arith.muli %arg1, %mul3A_185 : i32
    %add3A_187 = arith.addi %mul3A_184, %mul3A_186 : i32
    "tpu.region"() ({
      %run_scoped3A = tpu.sem_alloc : memref<!tpu.dma_semaphore, #tpu.memory_space<semaphore_mem>>
      %dma_start3A_188 = arith.constant 0 : i32
      %dma_start3A_189 = tpu.memref_slice %arg5[%add3A_187, %dma_start3A_188] : memref<20000x64xf32, #tpu.memory_space<hbm>> -> memref<625x64xf32, #tpu.memory_space<hbm>>
      %dma_start3A_190 = arith.constant 0 : i32
      %dma_start3A_191 = tpu.memref_slice %arg10[%mul3A_182, %dma_start3A_190] : memref<10000x64xf32, #tpu.memory_space<vmem_shared>> -> memref<625x64xf32, #tpu.memory_space<vmem_shared>>
      tpu.enqueue_dma source(%dma_start3A_191 : memref<625x64xf32, #tpu.memory_space<vmem_shared>>) target(%dma_start3A_189 : memref<625x64xf32, #tpu.memory_space<hbm>>) target_semaphore(%run_scoped3A : memref<!tpu.dma_semaphore, #tpu.memory_space<semaphore_mem>>)
      %dma_wait3A_192 = arith.constant 0 : i32
      %dma_wait3A_193 = tpu.memref_slice %arg5[%add3A_187, %dma_wait3A_192] : memref<20000x64xf32, #tpu.memory_space<hbm>> -> memref<625x64xf32, #tpu.memory_space<hbm>>
      %dma_wait3A_194 = arith.constant 0 : i32
      %dma_wait3A_195 = tpu.memref_slice %arg10[%mul3A_182, %dma_wait3A_194] : memref<10000x64xf32, #tpu.memory_space<vmem_shared>> -> memref<625x64xf32, #tpu.memory_space<vmem_shared>>
      tpu.wait_dma2 semaphore(%run_scoped3A : memref<!tpu.dma_semaphore, #tpu.memory_space<semaphore_mem>>) src(%dma_wait3A_195 : memref<625x64xf32, #tpu.memory_space<vmem_shared>>) dst(%dma_wait3A_193 : memref<625x64xf32, #tpu.memory_space<hbm>>)
      tpu.yield
    }) : () -> ()
    return
  }
}

#map = affine_map<(d0, d1) -> (0, 0)>
#map1 = affine_map<(d0, d1) -> (0, 0, 0)>
module attributes {stable_mosaic.version = 14 : i64} {
  func.func @_gs_body(%arg0: i32, %arg1: i32, %arg2: memref<10000x64xf32, #tpu.memory_space<hbm>>, %arg3: memref<2x320000xi32, #tpu.memory_space<hbm>>, %arg4: memref<32x125x80xi32, #tpu.memory_space<hbm>>, %arg5: memref<20000x64xf32, #tpu.memory_space<hbm>>, %arg6: memref<10000xi32, #tpu.memory_space<vmem>>, %arg7: memref<125x80xi32, #tpu.memory_space<vmem>>, %arg8: memref<10x80x64xf32, #tpu.memory_space<vmem>>, %arg9: memref<125x64xf32, #tpu.memory_space<vmem>>, %arg10: memref<10000x64xf32, #tpu.memory_space<vmem_shared>>, %arg11: memref<10x!tpu.dma_semaphore, #tpu.memory_space<semaphore_mem>>, %arg12: memref<10x!tpu.dma_semaphore, #tpu.memory_space<semaphore_mem>>, %arg13: memref<!tpu.dma_semaphore, #tpu.memory_space<semaphore_mem>>) attributes {dimension_semantics = [#tpu.dimension_semantics<core_parallel>, #tpu.dimension_semantics<subcore_parallel>], iteration_bounds = array<i64: 2, 16>, scalar_prefetch = 0 : i64, scratch_operands = 8 : i64, tpu.core_type = #tpu.core_type<sc_vector_subcore>, window_params = [{transform_indices = #map}, {transform_indices = #map}, {transform_indices = #map1}, {transform_indices = #map}]} {
    %mul3A = arith.constant 2 : i32
    %mul3A_0 = arith.muli %arg1, %mul3A : i32
    %add3A = arith.addi %mul3A_0, %arg0 : i32
    %mul3A_1 = arith.constant 10000 : i32
    %mul3A_2 = arith.muli %add3A, %mul3A_1 : i32
    %dma_start3A = arith.constant 0 : i32
    %dma_start3A_3 = tpu.memref_slice %arg3[%dma_start3A, %mul3A_2] : memref<2x320000xi32, #tpu.memory_space<hbm>> -> memref<1x10000xi32, #tpu.memory_space<hbm>>
    %dma_start3A_4 = tpu.memref_squeeze %dma_start3A_3 : memref<1x10000xi32, #tpu.memory_space<hbm>> -> memref<10000xi32, #tpu.memory_space<hbm>>
    %dma_start3A_5 = tpu.memref_slice %arg3[%dma_start3A, %mul3A_2] : memref<2x320000xi32, #tpu.memory_space<hbm>> -> memref<1x10000xi32, #tpu.memory_space<hbm>>
    %dma_start3A_6 = tpu.memref_squeeze %dma_start3A_5 : memref<1x10000xi32, #tpu.memory_space<hbm>> -> memref<10000xi32, #tpu.memory_space<hbm>>
    tpu.enqueue_dma source(%dma_start3A_6 : memref<10000xi32, #tpu.memory_space<hbm>>) target(%arg6 : memref<10000xi32, #tpu.memory_space<vmem>>) target_semaphore(%arg13 : memref<!tpu.dma_semaphore, #tpu.memory_space<semaphore_mem>>)
    %dma_start3A_7 = arith.constant 0 : i32
    %dma_start3A_8 = arith.constant 0 : i32
    %dma_start3A_9 = tpu.memref_slice %arg4[%add3A, %dma_start3A_7, %dma_start3A_8] : memref<32x125x80xi32, #tpu.memory_space<hbm>> -> memref<1x125x80xi32, #tpu.memory_space<hbm>>
    %dma_start3A_10 = tpu.memref_squeeze %dma_start3A_9 : memref<1x125x80xi32, #tpu.memory_space<hbm>> -> memref<125x80xi32, #tpu.memory_space<hbm>>
    %dma_start3A_11 = arith.constant 0 : i32
    %dma_start3A_12 = arith.constant 0 : i32
    %dma_start3A_13 = tpu.memref_slice %arg4[%add3A, %dma_start3A_11, %dma_start3A_12] : memref<32x125x80xi32, #tpu.memory_space<hbm>> -> memref<1x125x80xi32, #tpu.memory_space<hbm>>
    %dma_start3A_14 = tpu.memref_squeeze %dma_start3A_13 : memref<1x125x80xi32, #tpu.memory_space<hbm>> -> memref<125x80xi32, #tpu.memory_space<hbm>>
    tpu.enqueue_dma source(%dma_start3A_14 : memref<125x80xi32, #tpu.memory_space<hbm>>) target(%arg7 : memref<125x80xi32, #tpu.memory_space<vmem>>) target_semaphore(%arg13 : memref<!tpu.dma_semaphore, #tpu.memory_space<semaphore_mem>>)
    %dma_wait3A = arith.constant 0 : i32
    %dma_wait3A_15 = tpu.memref_slice %arg3[%dma_wait3A, %mul3A_2] : memref<2x320000xi32, #tpu.memory_space<hbm>> -> memref<1x10000xi32, #tpu.memory_space<hbm>>
    %dma_wait3A_16 = tpu.memref_squeeze %dma_wait3A_15 : memref<1x10000xi32, #tpu.memory_space<hbm>> -> memref<10000xi32, #tpu.memory_space<hbm>>
    %dma_wait3A_17 = tpu.memref_slice %arg3[%dma_wait3A, %mul3A_2] : memref<2x320000xi32, #tpu.memory_space<hbm>> -> memref<1x10000xi32, #tpu.memory_space<hbm>>
    %dma_wait3A_18 = tpu.memref_squeeze %dma_wait3A_17 : memref<1x10000xi32, #tpu.memory_space<hbm>> -> memref<10000xi32, #tpu.memory_space<hbm>>
    tpu.wait_dma2 semaphore(%arg13 : memref<!tpu.dma_semaphore, #tpu.memory_space<semaphore_mem>>) src(%dma_wait3A_18 : memref<10000xi32, #tpu.memory_space<hbm>>) dst(%arg6 : memref<10000xi32, #tpu.memory_space<vmem>>)
    %dma_start3A_19 = arith.constant 0 : i32
    %dma_start3A_20 = arith.constant 0 : i32
    %dma_start3A_21 = arith.constant 0 : i32
    %dma_start3A_22 = arith.constant 0 : i32
    %dma_start3A_23 = tpu.memref_slice %arg8[%dma_start3A_19, %dma_start3A_21, %dma_start3A_22] : memref<10x80x64xf32, #tpu.memory_space<vmem>> -> memref<1x80x64xf32, #tpu.memory_space<vmem>>
    %dma_start3A_24 = tpu.memref_squeeze %dma_start3A_23 : memref<1x80x64xf32, #tpu.memory_space<vmem>> -> memref<80x64xf32, #tpu.memory_space<vmem>>
    %dma_start3A_25 = arith.constant 0 : i32
    %dma_start3A_26 = tpu.memref_slice %arg6[%dma_start3A_25] : memref<10000xi32, #tpu.memory_space<vmem>> -> memref<80xi32, #tpu.memory_space<vmem>>
    %dma_start3A_27 = arith.constant 0 : i32
    %dma_start3A_28 = arith.constant 0 : i32
    %dma_start3A_29 = tpu.memref_slice %arg2[%dma_start3A_27, %dma_start3A_28] : memref<10000x64xf32, #tpu.memory_space<hbm>> -> memref<10000x64xf32, #tpu.memory_space<hbm>>
    %dma_start3A_30 = tpu.memref_slice %arg11[%dma_start3A_20] : memref<10x!tpu.dma_semaphore, #tpu.memory_space<semaphore_mem>> -> memref<1x!tpu.dma_semaphore, #tpu.memory_space<semaphore_mem>>
    %dma_start3A_31 = tpu.memref_squeeze %dma_start3A_30 : memref<1x!tpu.dma_semaphore, #tpu.memory_space<semaphore_mem>> -> memref<!tpu.dma_semaphore, #tpu.memory_space<semaphore_mem>>
    tpu.enqueue_indirect_dma source(%dma_start3A_29 : memref<10000x64xf32, #tpu.memory_space<hbm>>) target(%dma_start3A_24 : memref<80x64xf32, #tpu.memory_space<vmem>>) offsets(%dma_start3A_26 : memref<80xi32, #tpu.memory_space<vmem>>) semaphore(%dma_start3A_31 : memref<!tpu.dma_semaphore, #tpu.memory_space<semaphore_mem>>)
    %dma_start3A_32 = arith.constant 1 : i32
    %dma_start3A_33 = arith.constant 1 : i32
    %dma_start3A_34 = arith.constant 0 : i32
    %dma_start3A_35 = arith.constant 0 : i32
    %dma_start3A_36 = tpu.memref_slice %arg8[%dma_start3A_32, %dma_start3A_34, %dma_start3A_35] : memref<10x80x64xf32, #tpu.memory_space<vmem>> -> memref<1x80x64xf32, #tpu.memory_space<vmem>>
    %dma_start3A_37 = tpu.memref_squeeze %dma_start3A_36 : memref<1x80x64xf32, #tpu.memory_space<vmem>> -> memref<80x64xf32, #tpu.memory_space<vmem>>
    %dma_start3A_38 = arith.constant 80 : i32
    %dma_start3A_39 = tpu.memref_slice %arg6[%dma_start3A_38] : memref<10000xi32, #tpu.memory_space<vmem>> -> memref<80xi32, #tpu.memory_space<vmem>>
    %dma_start3A_40 = arith.constant 0 : i32
    %dma_start3A_41 = arith.constant 0 : i32
    %dma_start3A_42 = tpu.memref_slice %arg2[%dma_start3A_40, %dma_start3A_41] : memref<10000x64xf32, #tpu.memory_space<hbm>> -> memref<10000x64xf32, #tpu.memory_space<hbm>>
    %dma_start3A_43 = tpu.memref_slice %arg11[%dma_start3A_33] : memref<10x!tpu.dma_semaphore, #tpu.memory_space<semaphore_mem>> -> memref<1x!tpu.dma_semaphore, #tpu.memory_space<semaphore_mem>>
    %dma_start3A_44 = tpu.memref_squeeze %dma_start3A_43 : memref<1x!tpu.dma_semaphore, #tpu.memory_space<semaphore_mem>> -> memref<!tpu.dma_semaphore, #tpu.memory_space<semaphore_mem>>
    tpu.enqueue_indirect_dma source(%dma_start3A_42 : memref<10000x64xf32, #tpu.memory_space<hbm>>) target(%dma_start3A_37 : memref<80x64xf32, #tpu.memory_space<vmem>>) offsets(%dma_start3A_39 : memref<80xi32, #tpu.memory_space<vmem>>) semaphore(%dma_start3A_44 : memref<!tpu.dma_semaphore, #tpu.memory_space<semaphore_mem>>)
    %dma_start3A_45 = arith.constant 2 : i32
    %dma_start3A_46 = arith.constant 2 : i32
    %dma_start3A_47 = arith.constant 0 : i32
    %dma_start3A_48 = arith.constant 0 : i32
    %dma_start3A_49 = tpu.memref_slice %arg8[%dma_start3A_45, %dma_start3A_47, %dma_start3A_48] : memref<10x80x64xf32, #tpu.memory_space<vmem>> -> memref<1x80x64xf32, #tpu.memory_space<vmem>>
    %dma_start3A_50 = tpu.memref_squeeze %dma_start3A_49 : memref<1x80x64xf32, #tpu.memory_space<vmem>> -> memref<80x64xf32, #tpu.memory_space<vmem>>
    %dma_start3A_51 = arith.constant 160 : i32
    %dma_start3A_52 = tpu.memref_slice %arg6[%dma_start3A_51] : memref<10000xi32, #tpu.memory_space<vmem>> -> memref<80xi32, #tpu.memory_space<vmem>>
    %dma_start3A_53 = arith.constant 0 : i32
    %dma_start3A_54 = arith.constant 0 : i32
    %dma_start3A_55 = tpu.memref_slice %arg2[%dma_start3A_53, %dma_start3A_54] : memref<10000x64xf32, #tpu.memory_space<hbm>> -> memref<10000x64xf32, #tpu.memory_space<hbm>>
    %dma_start3A_56 = tpu.memref_slice %arg11[%dma_start3A_46] : memref<10x!tpu.dma_semaphore, #tpu.memory_space<semaphore_mem>> -> memref<1x!tpu.dma_semaphore, #tpu.memory_space<semaphore_mem>>
    %dma_start3A_57 = tpu.memref_squeeze %dma_start3A_56 : memref<1x!tpu.dma_semaphore, #tpu.memory_space<semaphore_mem>> -> memref<!tpu.dma_semaphore, #tpu.memory_space<semaphore_mem>>
    tpu.enqueue_indirect_dma source(%dma_start3A_55 : memref<10000x64xf32, #tpu.memory_space<hbm>>) target(%dma_start3A_50 : memref<80x64xf32, #tpu.memory_space<vmem>>) offsets(%dma_start3A_52 : memref<80xi32, #tpu.memory_space<vmem>>) semaphore(%dma_start3A_57 : memref<!tpu.dma_semaphore, #tpu.memory_space<semaphore_mem>>)
    %dma_start3A_58 = arith.constant 3 : i32
    %dma_start3A_59 = arith.constant 3 : i32
    %dma_start3A_60 = arith.constant 0 : i32
    %dma_start3A_61 = arith.constant 0 : i32
    %dma_start3A_62 = tpu.memref_slice %arg8[%dma_start3A_58, %dma_start3A_60, %dma_start3A_61] : memref<10x80x64xf32, #tpu.memory_space<vmem>> -> memref<1x80x64xf32, #tpu.memory_space<vmem>>
    %dma_start3A_63 = tpu.memref_squeeze %dma_start3A_62 : memref<1x80x64xf32, #tpu.memory_space<vmem>> -> memref<80x64xf32, #tpu.memory_space<vmem>>
    %dma_start3A_64 = arith.constant 240 : i32
    %dma_start3A_65 = tpu.memref_slice %arg6[%dma_start3A_64] : memref<10000xi32, #tpu.memory_space<vmem>> -> memref<80xi32, #tpu.memory_space<vmem>>
    %dma_start3A_66 = arith.constant 0 : i32
    %dma_start3A_67 = arith.constant 0 : i32
    %dma_start3A_68 = tpu.memref_slice %arg2[%dma_start3A_66, %dma_start3A_67] : memref<10000x64xf32, #tpu.memory_space<hbm>> -> memref<10000x64xf32, #tpu.memory_space<hbm>>
    %dma_start3A_69 = tpu.memref_slice %arg11[%dma_start3A_59] : memref<10x!tpu.dma_semaphore, #tpu.memory_space<semaphore_mem>> -> memref<1x!tpu.dma_semaphore, #tpu.memory_space<semaphore_mem>>
    %dma_start3A_70 = tpu.memref_squeeze %dma_start3A_69 : memref<1x!tpu.dma_semaphore, #tpu.memory_space<semaphore_mem>> -> memref<!tpu.dma_semaphore, #tpu.memory_space<semaphore_mem>>
    tpu.enqueue_indirect_dma source(%dma_start3A_68 : memref<10000x64xf32, #tpu.memory_space<hbm>>) target(%dma_start3A_63 : memref<80x64xf32, #tpu.memory_space<vmem>>) offsets(%dma_start3A_65 : memref<80xi32, #tpu.memory_space<vmem>>) semaphore(%dma_start3A_70 : memref<!tpu.dma_semaphore, #tpu.memory_space<semaphore_mem>>)
    %dma_start3A_71 = arith.constant 4 : i32
    %dma_start3A_72 = arith.constant 4 : i32
    %dma_start3A_73 = arith.constant 0 : i32
    %dma_start3A_74 = arith.constant 0 : i32
    %dma_start3A_75 = tpu.memref_slice %arg8[%dma_start3A_71, %dma_start3A_73, %dma_start3A_74] : memref<10x80x64xf32, #tpu.memory_space<vmem>> -> memref<1x80x64xf32, #tpu.memory_space<vmem>>
    %dma_start3A_76 = tpu.memref_squeeze %dma_start3A_75 : memref<1x80x64xf32, #tpu.memory_space<vmem>> -> memref<80x64xf32, #tpu.memory_space<vmem>>
    %dma_start3A_77 = arith.constant 320 : i32
    %dma_start3A_78 = tpu.memref_slice %arg6[%dma_start3A_77] : memref<10000xi32, #tpu.memory_space<vmem>> -> memref<80xi32, #tpu.memory_space<vmem>>
    %dma_start3A_79 = arith.constant 0 : i32
    %dma_start3A_80 = arith.constant 0 : i32
    %dma_start3A_81 = tpu.memref_slice %arg2[%dma_start3A_79, %dma_start3A_80] : memref<10000x64xf32, #tpu.memory_space<hbm>> -> memref<10000x64xf32, #tpu.memory_space<hbm>>
    %dma_start3A_82 = tpu.memref_slice %arg11[%dma_start3A_72] : memref<10x!tpu.dma_semaphore, #tpu.memory_space<semaphore_mem>> -> memref<1x!tpu.dma_semaphore, #tpu.memory_space<semaphore_mem>>
    %dma_start3A_83 = tpu.memref_squeeze %dma_start3A_82 : memref<1x!tpu.dma_semaphore, #tpu.memory_space<semaphore_mem>> -> memref<!tpu.dma_semaphore, #tpu.memory_space<semaphore_mem>>
    tpu.enqueue_indirect_dma source(%dma_start3A_81 : memref<10000x64xf32, #tpu.memory_space<hbm>>) target(%dma_start3A_76 : memref<80x64xf32, #tpu.memory_space<vmem>>) offsets(%dma_start3A_78 : memref<80xi32, #tpu.memory_space<vmem>>) semaphore(%dma_start3A_83 : memref<!tpu.dma_semaphore, #tpu.memory_space<semaphore_mem>>)
    %dma_start3A_84 = arith.constant 5 : i32
    %dma_start3A_85 = arith.constant 5 : i32
    %dma_start3A_86 = arith.constant 0 : i32
    %dma_start3A_87 = arith.constant 0 : i32
    %dma_start3A_88 = tpu.memref_slice %arg8[%dma_start3A_84, %dma_start3A_86, %dma_start3A_87] : memref<10x80x64xf32, #tpu.memory_space<vmem>> -> memref<1x80x64xf32, #tpu.memory_space<vmem>>
    %dma_start3A_89 = tpu.memref_squeeze %dma_start3A_88 : memref<1x80x64xf32, #tpu.memory_space<vmem>> -> memref<80x64xf32, #tpu.memory_space<vmem>>
    %dma_start3A_90 = arith.constant 400 : i32
    %dma_start3A_91 = tpu.memref_slice %arg6[%dma_start3A_90] : memref<10000xi32, #tpu.memory_space<vmem>> -> memref<80xi32, #tpu.memory_space<vmem>>
    %dma_start3A_92 = arith.constant 0 : i32
    %dma_start3A_93 = arith.constant 0 : i32
    %dma_start3A_94 = tpu.memref_slice %arg2[%dma_start3A_92, %dma_start3A_93] : memref<10000x64xf32, #tpu.memory_space<hbm>> -> memref<10000x64xf32, #tpu.memory_space<hbm>>
    %dma_start3A_95 = tpu.memref_slice %arg11[%dma_start3A_85] : memref<10x!tpu.dma_semaphore, #tpu.memory_space<semaphore_mem>> -> memref<1x!tpu.dma_semaphore, #tpu.memory_space<semaphore_mem>>
    %dma_start3A_96 = tpu.memref_squeeze %dma_start3A_95 : memref<1x!tpu.dma_semaphore, #tpu.memory_space<semaphore_mem>> -> memref<!tpu.dma_semaphore, #tpu.memory_space<semaphore_mem>>
    tpu.enqueue_indirect_dma source(%dma_start3A_94 : memref<10000x64xf32, #tpu.memory_space<hbm>>) target(%dma_start3A_89 : memref<80x64xf32, #tpu.memory_space<vmem>>) offsets(%dma_start3A_91 : memref<80xi32, #tpu.memory_space<vmem>>) semaphore(%dma_start3A_96 : memref<!tpu.dma_semaphore, #tpu.memory_space<semaphore_mem>>)
    %dma_start3A_97 = arith.constant 6 : i32
    %dma_start3A_98 = arith.constant 6 : i32
    %dma_start3A_99 = arith.constant 0 : i32
    %dma_start3A_100 = arith.constant 0 : i32
    %dma_start3A_101 = tpu.memref_slice %arg8[%dma_start3A_97, %dma_start3A_99, %dma_start3A_100] : memref<10x80x64xf32, #tpu.memory_space<vmem>> -> memref<1x80x64xf32, #tpu.memory_space<vmem>>
    %dma_start3A_102 = tpu.memref_squeeze %dma_start3A_101 : memref<1x80x64xf32, #tpu.memory_space<vmem>> -> memref<80x64xf32, #tpu.memory_space<vmem>>
    %dma_start3A_103 = arith.constant 480 : i32
    %dma_start3A_104 = tpu.memref_slice %arg6[%dma_start3A_103] : memref<10000xi32, #tpu.memory_space<vmem>> -> memref<80xi32, #tpu.memory_space<vmem>>
    %dma_start3A_105 = arith.constant 0 : i32
    %dma_start3A_106 = arith.constant 0 : i32
    %dma_start3A_107 = tpu.memref_slice %arg2[%dma_start3A_105, %dma_start3A_106] : memref<10000x64xf32, #tpu.memory_space<hbm>> -> memref<10000x64xf32, #tpu.memory_space<hbm>>
    %dma_start3A_108 = tpu.memref_slice %arg11[%dma_start3A_98] : memref<10x!tpu.dma_semaphore, #tpu.memory_space<semaphore_mem>> -> memref<1x!tpu.dma_semaphore, #tpu.memory_space<semaphore_mem>>
    %dma_start3A_109 = tpu.memref_squeeze %dma_start3A_108 : memref<1x!tpu.dma_semaphore, #tpu.memory_space<semaphore_mem>> -> memref<!tpu.dma_semaphore, #tpu.memory_space<semaphore_mem>>
    tpu.enqueue_indirect_dma source(%dma_start3A_107 : memref<10000x64xf32, #tpu.memory_space<hbm>>) target(%dma_start3A_102 : memref<80x64xf32, #tpu.memory_space<vmem>>) offsets(%dma_start3A_104 : memref<80xi32, #tpu.memory_space<vmem>>) semaphore(%dma_start3A_109 : memref<!tpu.dma_semaphore, #tpu.memory_space<semaphore_mem>>)
    %dma_start3A_110 = arith.constant 7 : i32
    %dma_start3A_111 = arith.constant 7 : i32
    %dma_start3A_112 = arith.constant 0 : i32
    %dma_start3A_113 = arith.constant 0 : i32
    %dma_start3A_114 = tpu.memref_slice %arg8[%dma_start3A_110, %dma_start3A_112, %dma_start3A_113] : memref<10x80x64xf32, #tpu.memory_space<vmem>> -> memref<1x80x64xf32, #tpu.memory_space<vmem>>
    %dma_start3A_115 = tpu.memref_squeeze %dma_start3A_114 : memref<1x80x64xf32, #tpu.memory_space<vmem>> -> memref<80x64xf32, #tpu.memory_space<vmem>>
    %dma_start3A_116 = arith.constant 560 : i32
    %dma_start3A_117 = tpu.memref_slice %arg6[%dma_start3A_116] : memref<10000xi32, #tpu.memory_space<vmem>> -> memref<80xi32, #tpu.memory_space<vmem>>
    %dma_start3A_118 = arith.constant 0 : i32
    %dma_start3A_119 = arith.constant 0 : i32
    %dma_start3A_120 = tpu.memref_slice %arg2[%dma_start3A_118, %dma_start3A_119] : memref<10000x64xf32, #tpu.memory_space<hbm>> -> memref<10000x64xf32, #tpu.memory_space<hbm>>
    %dma_start3A_121 = tpu.memref_slice %arg11[%dma_start3A_111] : memref<10x!tpu.dma_semaphore, #tpu.memory_space<semaphore_mem>> -> memref<1x!tpu.dma_semaphore, #tpu.memory_space<semaphore_mem>>
    %dma_start3A_122 = tpu.memref_squeeze %dma_start3A_121 : memref<1x!tpu.dma_semaphore, #tpu.memory_space<semaphore_mem>> -> memref<!tpu.dma_semaphore, #tpu.memory_space<semaphore_mem>>
    tpu.enqueue_indirect_dma source(%dma_start3A_120 : memref<10000x64xf32, #tpu.memory_space<hbm>>) target(%dma_start3A_115 : memref<80x64xf32, #tpu.memory_space<vmem>>) offsets(%dma_start3A_117 : memref<80xi32, #tpu.memory_space<vmem>>) semaphore(%dma_start3A_122 : memref<!tpu.dma_semaphore, #tpu.memory_space<semaphore_mem>>)
    %dma_start3A_123 = arith.constant 8 : i32
    %dma_start3A_124 = arith.constant 8 : i32
    %dma_start3A_125 = arith.constant 0 : i32
    %dma_start3A_126 = arith.constant 0 : i32
    %dma_start3A_127 = tpu.memref_slice %arg8[%dma_start3A_123, %dma_start3A_125, %dma_start3A_126] : memref<10x80x64xf32, #tpu.memory_space<vmem>> -> memref<1x80x64xf32, #tpu.memory_space<vmem>>
    %dma_start3A_128 = tpu.memref_squeeze %dma_start3A_127 : memref<1x80x64xf32, #tpu.memory_space<vmem>> -> memref<80x64xf32, #tpu.memory_space<vmem>>
    %dma_start3A_129 = arith.constant 640 : i32
    %dma_start3A_130 = tpu.memref_slice %arg6[%dma_start3A_129] : memref<10000xi32, #tpu.memory_space<vmem>> -> memref<80xi32, #tpu.memory_space<vmem>>
    %dma_start3A_131 = arith.constant 0 : i32
    %dma_start3A_132 = arith.constant 0 : i32
    %dma_start3A_133 = tpu.memref_slice %arg2[%dma_start3A_131, %dma_start3A_132] : memref<10000x64xf32, #tpu.memory_space<hbm>> -> memref<10000x64xf32, #tpu.memory_space<hbm>>
    %dma_start3A_134 = tpu.memref_slice %arg11[%dma_start3A_124] : memref<10x!tpu.dma_semaphore, #tpu.memory_space<semaphore_mem>> -> memref<1x!tpu.dma_semaphore, #tpu.memory_space<semaphore_mem>>
    %dma_start3A_135 = tpu.memref_squeeze %dma_start3A_134 : memref<1x!tpu.dma_semaphore, #tpu.memory_space<semaphore_mem>> -> memref<!tpu.dma_semaphore, #tpu.memory_space<semaphore_mem>>
    tpu.enqueue_indirect_dma source(%dma_start3A_133 : memref<10000x64xf32, #tpu.memory_space<hbm>>) target(%dma_start3A_128 : memref<80x64xf32, #tpu.memory_space<vmem>>) offsets(%dma_start3A_130 : memref<80xi32, #tpu.memory_space<vmem>>) semaphore(%dma_start3A_135 : memref<!tpu.dma_semaphore, #tpu.memory_space<semaphore_mem>>)
    %broadcast_in_dim3A = arith.constant 0.000000e+00 : f32
    %broadcast_in_dim3A_136 = vector.broadcast %broadcast_in_dim3A : f32 to vector<16xf32>
    %scan3A = arith.constant 0 : i32
    %scan3A_137 = arith.constant 0 : i32
    %scan3A_138 = arith.constant 125 : i32
    %scan3A_139 = arith.addi %scan3A_137, %scan3A_138 : i32
    %scan3A_140 = arith.constant 1 : i32
    %scan3A_141 = scf.for %scan3A_188 = %scan3A_137 to %scan3A_139 step %scan3A_140 iter_args(%scan3A_189 = %scan3A) -> (i32)  : i32 {
      %swap3A = arith.index_cast %scan3A_188 : i32 to index
      %swap3A_190 = arith.constant 0 : index
      %swap3A_191 = tpu.vector_load %arg9[%swap3A, %swap3A_190] {strides = array<i32>} : memref<125x64xf32, #tpu.memory_space<vmem>>, vector<1x16xf32>,
      %swap3A_192 = vector.shape_cast %swap3A_191 : vector<1x16xf32> to vector<16xf32>
      %swap3A_193 = vector.shape_cast %broadcast_in_dim3A_136 : vector<16xf32> to vector<1x16xf32>
      tpu.vector_store %arg9[%swap3A, %swap3A_190], %swap3A_193 {strides = array<i32>} : memref<125x64xf32, #tpu.memory_space<vmem>>, vector<1x16xf32>,
      %swap3A_194 = arith.index_cast %scan3A_188 : i32 to index
      %swap3A_195 = arith.constant 16 : index
      %swap3A_196 = tpu.vector_load %arg9[%swap3A_194, %swap3A_195] {strides = array<i32>} : memref<125x64xf32, #tpu.memory_space<vmem>>, vector<1x16xf32>,
      %swap3A_197 = vector.shape_cast %swap3A_196 : vector<1x16xf32> to vector<16xf32>
      %swap3A_198 = vector.shape_cast %broadcast_in_dim3A_136 : vector<16xf32> to vector<1x16xf32>
      tpu.vector_store %arg9[%swap3A_194, %swap3A_195], %swap3A_198 {strides = array<i32>} : memref<125x64xf32, #tpu.memory_space<vmem>>, vector<1x16xf32>,
      %swap3A_199 = arith.index_cast %scan3A_188 : i32 to index
      %swap3A_200 = arith.constant 32 : index
      %swap3A_201 = tpu.vector_load %arg9[%swap3A_199, %swap3A_200] {strides = array<i32>} : memref<125x64xf32, #tpu.memory_space<vmem>>, vector<1x16xf32>,
      %swap3A_202 = vector.shape_cast %swap3A_201 : vector<1x16xf32> to vector<16xf32>
      %swap3A_203 = vector.shape_cast %broadcast_in_dim3A_136 : vector<16xf32> to vector<1x16xf32>
      tpu.vector_store %arg9[%swap3A_199, %swap3A_200], %swap3A_203 {strides = array<i32>} : memref<125x64xf32, #tpu.memory_space<vmem>>, vector<1x16xf32>,
      %swap3A_204 = arith.index_cast %scan3A_188 : i32 to index
      %swap3A_205 = arith.constant 48 : index
      %swap3A_206 = tpu.vector_load %arg9[%swap3A_204, %swap3A_205] {strides = array<i32>} : memref<125x64xf32, #tpu.memory_space<vmem>>, vector<1x16xf32>,
      %swap3A_207 = vector.shape_cast %swap3A_206 : vector<1x16xf32> to vector<16xf32>
      %swap3A_208 = vector.shape_cast %broadcast_in_dim3A_136 : vector<16xf32> to vector<1x16xf32>
      tpu.vector_store %arg9[%swap3A_204, %swap3A_205], %swap3A_208 {strides = array<i32>} : memref<125x64xf32, #tpu.memory_space<vmem>>, vector<1x16xf32>,
      %scan3A_209 = arith.constant 0 : i32
      scf.yield %scan3A_209 : i32
    }
    %scan3A_142 = arith.constant 125 : i32
    %scan3A_143 = arith.constant 0 : i32
    %scan3A_144 = arith.constant 0 : i32
    %scan3A_145 = arith.constant 5 : i32
    %scan3A_146 = arith.addi %scan3A_144, %scan3A_145 : i32
    %scan3A_147 = arith.constant 1 : i32
    %scan3A_148 = scf.for %scan3A_188 = %scan3A_144 to %scan3A_146 step %scan3A_147 iter_args(%scan3A_189 = %scan3A_143) -> (i32)  : i32 {
      %mul3A_190 = arith.constant 625 : i32
      %mul3A_191 = arith.muli %arg1, %mul3A_190 : i32
      %mul3A_192 = arith.constant 125 : i32
      %mul3A_193 = arith.muli %scan3A_188, %mul3A_192 : i32
      %add3A_194 = arith.addi %mul3A_191, %mul3A_193 : i32
      "tpu.region"() ({
        %run_scoped3A = tpu.sem_alloc : memref<!tpu.dma_semaphore, #tpu.memory_space<semaphore_mem>>
        %dma_start3A_196 = arith.constant 0 : i32
        %dma_start3A_197 = tpu.memref_slice %arg10[%add3A_194, %dma_start3A_196] : memref<10000x64xf32, #tpu.memory_space<vmem_shared>> -> memref<125x64xf32, #tpu.memory_space<vmem_shared>>
        %dma_start3A_198 = arith.constant 0 : i32
        %dma_start3A_199 = tpu.memref_slice %arg10[%add3A_194, %dma_start3A_198] : memref<10000x64xf32, #tpu.memory_space<vmem_shared>> -> memref<125x64xf32, #tpu.memory_space<vmem_shared>>
        tpu.enqueue_dma source(%arg9 : memref<125x64xf32, #tpu.memory_space<vmem>>) target(%dma_start3A_199 : memref<125x64xf32, #tpu.memory_space<vmem_shared>>) target_semaphore(%run_scoped3A : memref<!tpu.dma_semaphore, #tpu.memory_space<semaphore_mem>>)
        %dma_wait3A_200 = arith.constant 0 : i32
        %dma_wait3A_201 = tpu.memref_slice %arg10[%add3A_194, %dma_wait3A_200] : memref<10000x64xf32, #tpu.memory_space<vmem_shared>> -> memref<125x64xf32, #tpu.memory_space<vmem_shared>>
        %dma_wait3A_202 = arith.constant 0 : i32
        %dma_wait3A_203 = tpu.memref_slice %arg10[%add3A_194, %dma_wait3A_202] : memref<10000x64xf32, #tpu.memory_space<vmem_shared>> -> memref<125x64xf32, #tpu.memory_space<vmem_shared>>
        tpu.wait_dma2 semaphore(%run_scoped3A : memref<!tpu.dma_semaphore, #tpu.memory_space<semaphore_mem>>) src(%arg9 : memref<125x64xf32, #tpu.memory_space<vmem>>) dst(%dma_wait3A_203 : memref<125x64xf32, #tpu.memory_space<vmem_shared>>)
        tpu.yield
      }) : () -> ()
      %scan3A_195 = arith.constant 0 : i32
      scf.yield %scan3A_195 : i32
    }
    %scan3A_149 = arith.constant 5 : i32
    %dma_wait3A_150 = arith.constant 0 : i32
    %dma_wait3A_151 = arith.constant 0 : i32
    %dma_wait3A_152 = tpu.memref_slice %arg4[%add3A, %dma_wait3A_150, %dma_wait3A_151] : memref<32x125x80xi32, #tpu.memory_space<hbm>> -> memref<1x125x80xi32, #tpu.memory_space<hbm>>
    %dma_wait3A_153 = tpu.memref_squeeze %dma_wait3A_152 : memref<1x125x80xi32, #tpu.memory_space<hbm>> -> memref<125x80xi32, #tpu.memory_space<hbm>>
    %dma_wait3A_154 = arith.constant 0 : i32
    %dma_wait3A_155 = arith.constant 0 : i32
    %dma_wait3A_156 = tpu.memref_slice %arg4[%add3A, %dma_wait3A_154, %dma_wait3A_155] : memref<32x125x80xi32, #tpu.memory_space<hbm>> -> memref<1x125x80xi32, #tpu.memory_space<hbm>>
    %dma_wait3A_157 = tpu.memref_squeeze %dma_wait3A_156 : memref<1x125x80xi32, #tpu.memory_space<hbm>> -> memref<125x80xi32, #tpu.memory_space<hbm>>
    tpu.wait_dma2 semaphore(%arg13 : memref<!tpu.dma_semaphore, #tpu.memory_space<semaphore_mem>>) src(%dma_wait3A_157 : memref<125x80xi32, #tpu.memory_space<hbm>>) dst(%arg7 : memref<125x80xi32, #tpu.memory_space<vmem>>)
    %barrier3A = arith.constant 0 : index
    tpu.barrier barrier_id(%barrier3A)
    %scan3A_158 = arith.constant 0 : i32
    %scan3A_159 = arith.constant 0 : i32
    %scan3A_160 = arith.constant 125 : i32
    %scan3A_161 = arith.addi %scan3A_159, %scan3A_160 : i32
    %scan3A_162 = arith.constant 1 : i32
    %scan3A_163 = scf.for %scan3A_188 = %scan3A_159 to %scan3A_161 step %scan3A_162 iter_args(%scan3A_189 = %scan3A_158) -> (i32)  : i32 {
      %rem3A = arith.constant 10 : i32
      %rem3A_190 = arith.remsi %scan3A_188, %rem3A : i32
      %add3A_191 = arith.constant 10 : i32
      %add3A_192 = arith.addi %scan3A_188, %add3A_191 : i32
      %sub3A = arith.constant 1 : i32
      %sub3A_193 = arith.subi %add3A_192, %sub3A : i32
      %rem3A_194 = arith.constant 10 : i32
      %rem3A_195 = arith.remsi %sub3A_193, %rem3A_194 : i32
      %dma_wait3A_196 = arith.constant 0 : i32
      %dma_wait3A_197 = arith.constant 0 : i32
      %dma_wait3A_198 = tpu.memref_slice %arg8[%rem3A_190, %dma_wait3A_196, %dma_wait3A_197] : memref<10x80x64xf32, #tpu.memory_space<vmem>> -> memref<1x80x64xf32, #tpu.memory_space<vmem>>
      %dma_wait3A_199 = tpu.memref_squeeze %dma_wait3A_198 : memref<1x80x64xf32, #tpu.memory_space<vmem>> -> memref<80x64xf32, #tpu.memory_space<vmem>>
      %dma_wait3A_200 = arith.constant 0 : i32
      %dma_wait3A_201 = tpu.memref_slice %arg6[%dma_wait3A_200] : memref<10000xi32, #tpu.memory_space<vmem>> -> memref<80xi32, #tpu.memory_space<vmem>>
      %dma_wait3A_202 = arith.constant 0 : i32
      %dma_wait3A_203 = arith.constant 0 : i32
      %dma_wait3A_204 = tpu.memref_slice %arg2[%dma_wait3A_202, %dma_wait3A_203] : memref<10000x64xf32, #tpu.memory_space<hbm>> -> memref<10000x64xf32, #tpu.memory_space<hbm>>
      %dma_wait3A_205 = tpu.memref_slice %arg11[%rem3A_190] : memref<10x!tpu.dma_semaphore, #tpu.memory_space<semaphore_mem>> -> memref<1x!tpu.dma_semaphore, #tpu.memory_space<semaphore_mem>>
      %dma_wait3A_206 = tpu.memref_squeeze %dma_wait3A_205 : memref<1x!tpu.dma_semaphore, #tpu.memory_space<semaphore_mem>> -> memref<!tpu.dma_semaphore, #tpu.memory_space<semaphore_mem>>
      tpu.wait_indirect_dma semaphore(%dma_wait3A_206 : memref<!tpu.dma_semaphore, #tpu.memory_space<semaphore_mem>>) src(%dma_wait3A_204 : memref<10000x64xf32, #tpu.memory_space<hbm>>) dst(%dma_wait3A_199 : memref<80x64xf32, #tpu.memory_space<vmem>>)
      %dma_start3A_207 = arith.constant 0 : i32
      %dma_start3A_208 = arith.constant 0 : i32
      %dma_start3A_209 = tpu.memref_slice %arg8[%rem3A_190, %dma_start3A_207, %dma_start3A_208] : memref<10x80x64xf32, #tpu.memory_space<vmem>> -> memref<1x80x64xf32, #tpu.memory_space<vmem>>
      %dma_start3A_210 = tpu.memref_squeeze %dma_start3A_209 : memref<1x80x64xf32, #tpu.memory_space<vmem>> -> memref<80x64xf32, #tpu.memory_space<vmem>>
      %dma_start3A_211 = arith.constant 0 : i32
      %dma_start3A_212 = tpu.memref_slice %arg7[%scan3A_188, %dma_start3A_211] : memref<125x80xi32, #tpu.memory_space<vmem>> -> memref<1x80xi32, #tpu.memory_space<vmem>>
      %dma_start3A_213 = tpu.memref_squeeze %dma_start3A_212 : memref<1x80xi32, #tpu.memory_space<vmem>> -> memref<80xi32, #tpu.memory_space<vmem>>
      %dma_start3A_214 = arith.constant 0 : i32
      %dma_start3A_215 = arith.constant 0 : i32
      %dma_start3A_216 = tpu.memref_slice %arg10[%dma_start3A_214, %dma_start3A_215] : memref<10000x64xf32, #tpu.memory_space<vmem_shared>> -> memref<10000x64xf32, #tpu.memory_space<vmem_shared>>
      %dma_start3A_217 = tpu.memref_slice %arg12[%rem3A_190] : memref<10x!tpu.dma_semaphore, #tpu.memory_space<semaphore_mem>> -> memref<1x!tpu.dma_semaphore, #tpu.memory_space<semaphore_mem>>
      %dma_start3A_218 = tpu.memref_squeeze %dma_start3A_217 : memref<1x!tpu.dma_semaphore, #tpu.memory_space<semaphore_mem>> -> memref<!tpu.dma_semaphore, #tpu.memory_space<semaphore_mem>>
      tpu.enqueue_indirect_dma source(%dma_start3A_210 : memref<80x64xf32, #tpu.memory_space<vmem>>) target(%dma_start3A_216 : memref<10000x64xf32, #tpu.memory_space<vmem_shared>>) offsets(%dma_start3A_213 : memref<80xi32, #tpu.memory_space<vmem>>) semaphore(%dma_start3A_218 : memref<!tpu.dma_semaphore, #tpu.memory_space<semaphore_mem>>) {add = true}
      %gt3A = arith.constant 0 : i32
      %gt3A_219 = arith.cmpi sgt, %scan3A_188, %gt3A : i32
      %convert_element_type3A = arith.extui %gt3A_219 : i1 to i32
      %cond3A = arith.constant 0 : i32
      %cond3A_220 = arith.cmpi ne, %convert_element_type3A, %cond3A : i32
      scf.if %cond3A_220 {
        %dma_wait3A_226 = arith.constant 0 : i32
        %dma_wait3A_227 = arith.constant 0 : i32
        %dma_wait3A_228 = arith.constant 0 : i32
        %dma_wait3A_229 = tpu.memref_slice %arg8[%rem3A_195, %dma_wait3A_227, %dma_wait3A_228] : memref<10x80x64xf32, #tpu.memory_space<vmem>> -> memref<1x80x64xf32, #tpu.memory_space<vmem>>
        %dma_wait3A_230 = tpu.memref_squeeze %dma_wait3A_229 : memref<1x80x64xf32, #tpu.memory_space<vmem>> -> memref<80x64xf32, #tpu.memory_space<vmem>>
        %dma_wait3A_231 = arith.constant 0 : i32
        %dma_wait3A_232 = tpu.memref_slice %arg7[%dma_wait3A_226, %dma_wait3A_231] : memref<125x80xi32, #tpu.memory_space<vmem>> -> memref<1x80xi32, #tpu.memory_space<vmem>>
        %dma_wait3A_233 = tpu.memref_squeeze %dma_wait3A_232 : memref<1x80xi32, #tpu.memory_space<vmem>> -> memref<80xi32, #tpu.memory_space<vmem>>
        %dma_wait3A_234 = arith.constant 0 : i32
        %dma_wait3A_235 = arith.constant 0 : i32
        %dma_wait3A_236 = tpu.memref_slice %arg10[%dma_wait3A_234, %dma_wait3A_235] : memref<10000x64xf32, #tpu.memory_space<vmem_shared>> -> memref<10000x64xf32, #tpu.memory_space<vmem_shared>>
        %dma_wait3A_237 = tpu.memref_slice %arg12[%rem3A_195] : memref<10x!tpu.dma_semaphore, #tpu.memory_space<semaphore_mem>> -> memref<1x!tpu.dma_semaphore, #tpu.memory_space<semaphore_mem>>
        %dma_wait3A_238 = tpu.memref_squeeze %dma_wait3A_237 : memref<1x!tpu.dma_semaphore, #tpu.memory_space<semaphore_mem>> -> memref<!tpu.dma_semaphore, #tpu.memory_space<semaphore_mem>>
        tpu.wait_indirect_dma semaphore(%dma_wait3A_238 : memref<!tpu.dma_semaphore, #tpu.memory_space<semaphore_mem>>) src(%dma_wait3A_230 : memref<80x64xf32, #tpu.memory_space<vmem>>) dst(%dma_wait3A_236 : memref<10000x64xf32, #tpu.memory_space<vmem_shared>>)
      } else {
      }
      %lt3A = arith.constant 116 : i32
      %lt3A_221 = arith.cmpi slt, %scan3A_188, %lt3A : i32
      %convert_element_type3A_222 = arith.extui %lt3A_221 : i1 to i32
      %cond3A_223 = arith.constant 0 : i32
      %cond3A_224 = arith.cmpi ne, %convert_element_type3A_222, %cond3A_223 : i32
      scf.if %cond3A_224 {
        %add3A_226 = arith.constant 10 : i32
        %add3A_227 = arith.addi %scan3A_188, %add3A_226 : i32
        %sub3A_228 = arith.constant 1 : i32
        %sub3A_229 = arith.subi %add3A_227, %sub3A_228 : i32
        %mul3A_230 = arith.constant 80 : i32
        %mul3A_231 = arith.muli %sub3A_229, %mul3A_230 : i32
        %dma_start3A_232 = arith.constant 0 : i32
        %dma_start3A_233 = arith.constant 0 : i32
        %dma_start3A_234 = tpu.memref_slice %arg8[%rem3A_195, %dma_start3A_232, %dma_start3A_233] : memref<10x80x64xf32, #tpu.memory_space<vmem>> -> memref<1x80x64xf32, #tpu.memory_space<vmem>>
        %dma_start3A_235 = tpu.memref_squeeze %dma_start3A_234 : memref<1x80x64xf32, #tpu.memory_space<vmem>> -> memref<80x64xf32, #tpu.memory_space<vmem>>
        %dma_start3A_236 = tpu.memref_slice %arg6[%mul3A_231] : memref<10000xi32, #tpu.memory_space<vmem>> -> memref<80xi32, #tpu.memory_space<vmem>>
        %dma_start3A_237 = arith.constant 0 : i32
        %dma_start3A_238 = arith.constant 0 : i32
        %dma_start3A_239 = tpu.memref_slice %arg2[%dma_start3A_237, %dma_start3A_238] : memref<10000x64xf32, #tpu.memory_space<hbm>> -> memref<10000x64xf32, #tpu.memory_space<hbm>>
        %dma_start3A_240 = tpu.memref_slice %arg11[%rem3A_195] : memref<10x!tpu.dma_semaphore, #tpu.memory_space<semaphore_mem>> -> memref<1x!tpu.dma_semaphore, #tpu.memory_space<semaphore_mem>>
        %dma_start3A_241 = tpu.memref_squeeze %dma_start3A_240 : memref<1x!tpu.dma_semaphore, #tpu.memory_space<semaphore_mem>> -> memref<!tpu.dma_semaphore, #tpu.memory_space<semaphore_mem>>
        tpu.enqueue_indirect_dma source(%dma_start3A_239 : memref<10000x64xf32, #tpu.memory_space<hbm>>) target(%dma_start3A_235 : memref<80x64xf32, #tpu.memory_space<vmem>>) offsets(%dma_start3A_236 : memref<80xi32, #tpu.memory_space<vmem>>) semaphore(%dma_start3A_241 : memref<!tpu.dma_semaphore, #tpu.memory_space<semaphore_mem>>)
      } else {
      }
      %scan3A_225 = arith.constant 0 : i32
      scf.yield %scan3A_225 : i32
    }
    %scan3A_164 = arith.constant 125 : i32
    %dma_wait3A_165 = arith.constant 4 : i32
    %dma_wait3A_166 = arith.constant 0 : i32
    %dma_wait3A_167 = arith.constant 4 : i32
    %dma_wait3A_168 = arith.constant 0 : i32
    %dma_wait3A_169 = arith.constant 0 : i32
    %dma_wait3A_170 = tpu.memref_slice %arg8[%dma_wait3A_165, %dma_wait3A_168, %dma_wait3A_169] : memref<10x80x64xf32, #tpu.memory_space<vmem>> -> memref<1x80x64xf32, #tpu.memory_space<vmem>>
    %dma_wait3A_171 = tpu.memref_squeeze %dma_wait3A_170 : memref<1x80x64xf32, #tpu.memory_space<vmem>> -> memref<80x64xf32, #tpu.memory_space<vmem>>
    %dma_wait3A_172 = arith.constant 0 : i32
    %dma_wait3A_173 = tpu.memref_slice %arg7[%dma_wait3A_166, %dma_wait3A_172] : memref<125x80xi32, #tpu.memory_space<vmem>> -> memref<1x80xi32, #tpu.memory_space<vmem>>
    %dma_wait3A_174 = tpu.memref_squeeze %dma_wait3A_173 : memref<1x80xi32, #tpu.memory_space<vmem>> -> memref<80xi32, #tpu.memory_space<vmem>>
    %dma_wait3A_175 = arith.constant 0 : i32
    %dma_wait3A_176 = arith.constant 0 : i32
    %dma_wait3A_177 = tpu.memref_slice %arg10[%dma_wait3A_175, %dma_wait3A_176] : memref<10000x64xf32, #tpu.memory_space<vmem_shared>> -> memref<10000x64xf32, #tpu.memory_space<vmem_shared>>
    %dma_wait3A_178 = tpu.memref_slice %arg12[%dma_wait3A_167] : memref<10x!tpu.dma_semaphore, #tpu.memory_space<semaphore_mem>> -> memref<1x!tpu.dma_semaphore, #tpu.memory_space<semaphore_mem>>
    %dma_wait3A_179 = tpu.memref_squeeze %dma_wait3A_178 : memref<1x!tpu.dma_semaphore, #tpu.memory_space<semaphore_mem>> -> memref<!tpu.dma_semaphore, #tpu.memory_space<semaphore_mem>>
    tpu.wait_indirect_dma semaphore(%dma_wait3A_179 : memref<!tpu.dma_semaphore, #tpu.memory_space<semaphore_mem>>) src(%dma_wait3A_171 : memref<80x64xf32, #tpu.memory_space<vmem>>) dst(%dma_wait3A_177 : memref<10000x64xf32, #tpu.memory_space<vmem_shared>>)
    %barrier3A_180 = arith.constant 0 : index
    tpu.barrier barrier_id(%barrier3A_180)
    %mul3A_181 = arith.constant 625 : i32
    %mul3A_182 = arith.muli %arg1, %mul3A_181 : i32
    %mul3A_183 = arith.constant 10000 : i32
    %mul3A_184 = arith.muli %arg0, %mul3A_183 : i32
    %mul3A_185 = arith.constant 625 : i32
    %mul3A_186 = arith.muli %arg1, %mul3A_185 : i32
    %add3A_187 = arith.addi %mul3A_184, %mul3A_186 : i32
    "tpu.region"() ({
      %run_scoped3A = tpu.sem_alloc : memref<!tpu.dma_semaphore, #tpu.memory_space<semaphore_mem>>
      %dma_start3A_188 = arith.constant 0 : i32
      %dma_start3A_189 = tpu.memref_slice %arg5[%add3A_187, %dma_start3A_188] : memref<20000x64xf32, #tpu.memory_space<hbm>> -> memref<625x64xf32, #tpu.memory_space<hbm>>
      %dma_start3A_190 = arith.constant 0 : i32
      %dma_start3A_191 = tpu.memref_slice %arg10[%mul3A_182, %dma_start3A_190] : memref<10000x64xf32, #tpu.memory_space<vmem_shared>> -> memref<625x64xf32, #tpu.memory_space<vmem_shared>>
      tpu.enqueue_dma source(%dma_start3A_191 : memref<625x64xf32, #tpu.memory_space<vmem_shared>>) target(%dma_start3A_189 : memref<625x64xf32, #tpu.memory_space<hbm>>) target_semaphore(%run_scoped3A : memref<!tpu.dma_semaphore, #tpu.memory_space<semaphore_mem>>)
      %dma_wait3A_192 = arith.constant 0 : i32
      %dma_wait3A_193 = tpu.memref_slice %arg5[%add3A_187, %dma_wait3A_192] : memref<20000x64xf32, #tpu.memory_space<hbm>> -> memref<625x64xf32, #tpu.memory_space<hbm>>
      %dma_wait3A_194 = arith.constant 0 : i32
      %dma_wait3A_195 = tpu.memref_slice %arg10[%mul3A_182, %dma_wait3A_194] : memref<10000x64xf32, #tpu.memory_space<vmem_shared>> -> memref<625x64xf32, #tpu.memory_space<vmem_shared>>
      tpu.wait_dma2 semaphore(%run_scoped3A : memref<!tpu.dma_semaphore, #tpu.memory_space<semaphore_mem>>) src(%dma_wait3A_195 : memref<625x64xf32, #tpu.memory_space<vmem_shared>>) dst(%dma_wait3A_193 : memref<625x64xf32, #tpu.memory_space<hbm>>)
      tpu.yield
    }) : () -> ()
    return
  }
}

#map = affine_map<(d0, d1) -> (0, 0)>
module attributes {stable_mosaic.version = 14 : i64} {
  func.func @_deg_body(%arg0: i32, %arg1: i32, %arg2: memref<2x320000xi32, #tpu.memory_space<hbm>>, %arg3: memref<32x10000xf32, #tpu.memory_space<hbm>>, %arg4: memref<10000xi32, #tpu.memory_space<vmem>>, %arg5: memref<10000xf32, #tpu.memory_space<vmem>>, %arg6: memref<!tpu.dma_semaphore, #tpu.memory_space<semaphore_mem>>) attributes {dimension_semantics = [#tpu.dimension_semantics<core_parallel>, #tpu.dimension_semantics<subcore_parallel>], iteration_bounds = array<i64: 2, 16>, scalar_prefetch = 0 : i64, scratch_operands = 3 : i64, tpu.core_type = #tpu.core_type<sc_vector_subcore>, window_params = [{transform_indices = #map}, {transform_indices = #map}]} {
    %mul3A = arith.constant 2 : i32
    %mul3A_0 = arith.muli %arg1, %mul3A : i32
    %add3A = arith.addi %mul3A_0, %arg0 : i32
    %mul3A_1 = arith.constant 10000 : i32
    %mul3A_2 = arith.muli %add3A, %mul3A_1 : i32
    %dma_start3A = arith.constant 1 : i32
    %dma_start3A_3 = tpu.memref_slice %arg2[%dma_start3A, %mul3A_2] : memref<2x320000xi32, #tpu.memory_space<hbm>> -> memref<1x10000xi32, #tpu.memory_space<hbm>>
    %dma_start3A_4 = tpu.memref_squeeze %dma_start3A_3 : memref<1x10000xi32, #tpu.memory_space<hbm>> -> memref<10000xi32, #tpu.memory_space<hbm>>
    %dma_start3A_5 = tpu.memref_slice %arg2[%dma_start3A, %mul3A_2] : memref<2x320000xi32, #tpu.memory_space<hbm>> -> memref<1x10000xi32, #tpu.memory_space<hbm>>
    %dma_start3A_6 = tpu.memref_squeeze %dma_start3A_5 : memref<1x10000xi32, #tpu.memory_space<hbm>> -> memref<10000xi32, #tpu.memory_space<hbm>>
    tpu.enqueue_dma source(%dma_start3A_6 : memref<10000xi32, #tpu.memory_space<hbm>>) target(%arg4 : memref<10000xi32, #tpu.memory_space<vmem>>) target_semaphore(%arg6 : memref<!tpu.dma_semaphore, #tpu.memory_space<semaphore_mem>>)
    %broadcast_in_dim3A = arith.constant 0.000000e+00 : f32
    %broadcast_in_dim3A_7 = vector.broadcast %broadcast_in_dim3A : f32 to vector<16xf32>
    %scan3A = arith.constant 0 : i32
    %scan3A_8 = arith.constant 0 : i32
    %scan3A_9 = arith.constant 624 : i32
    %scan3A_10 = arith.addi %scan3A_8, %scan3A_9 : i32
    %scan3A_11 = arith.constant 4 : i32
    %scan3A_12 = scf.for %scan3A_40 = %scan3A_8 to %scan3A_10 step %scan3A_11 iter_args(%scan3A_41 = %scan3A) -> (i32)  : i32 {
      %mul3A_42 = arith.constant 16 : i32
      %mul3A_43 = arith.muli %scan3A_40, %mul3A_42 : i32
      %swap3A_44 = arith.index_cast %mul3A_43 : i32 to index
      %swap3A_45 = tpu.vector_load %arg5[%swap3A_44] {strides = array<i32>} : memref<10000xf32, #tpu.memory_space<vmem>>, vector<16xf32>,
      tpu.vector_store %arg5[%swap3A_44], %broadcast_in_dim3A_7 {strides = array<i32>} : memref<10000xf32, #tpu.memory_space<vmem>>, vector<16xf32>,
      %scan3A_46 = arith.constant 0 : i32
      %scan3A_47 = arith.constant 1 : i32
      %scan3A_48 = arith.addi %scan3A_40, %scan3A_47 : i32
      %mul3A_49 = arith.constant 16 : i32
      %mul3A_50 = arith.muli %scan3A_48, %mul3A_49 : i32
      %swap3A_51 = arith.index_cast %mul3A_50 : i32 to index
      %swap3A_52 = tpu.vector_load %arg5[%swap3A_51] {strides = array<i32>} : memref<10000xf32, #tpu.memory_space<vmem>>, vector<16xf32>,
      tpu.vector_store %arg5[%swap3A_51], %broadcast_in_dim3A_7 {strides = array<i32>} : memref<10000xf32, #tpu.memory_space<vmem>>, vector<16xf32>,
      %scan3A_53 = arith.constant 0 : i32
      %scan3A_54 = arith.constant 2 : i32
      %scan3A_55 = arith.addi %scan3A_40, %scan3A_54 : i32
      %mul3A_56 = arith.constant 16 : i32
      %mul3A_57 = arith.muli %scan3A_55, %mul3A_56 : i32
      %swap3A_58 = arith.index_cast %mul3A_57 : i32 to index
      %swap3A_59 = tpu.vector_load %arg5[%swap3A_58] {strides = array<i32>} : memref<10000xf32, #tpu.memory_space<vmem>>, vector<16xf32>,
      tpu.vector_store %arg5[%swap3A_58], %broadcast_in_dim3A_7 {strides = array<i32>} : memref<10000xf32, #tpu.memory_space<vmem>>, vector<16xf32>,
      %scan3A_60 = arith.constant 0 : i32
      %scan3A_61 = arith.constant 3 : i32
      %scan3A_62 = arith.addi %scan3A_40, %scan3A_61 : i32
      %mul3A_63 = arith.constant 16 : i32
      %mul3A_64 = arith.muli %scan3A_62, %mul3A_63 : i32
      %swap3A_65 = arith.index_cast %mul3A_64 : i32 to index
      %swap3A_66 = tpu.vector_load %arg5[%swap3A_65] {strides = array<i32>} : memref<10000xf32, #tpu.memory_space<vmem>>, vector<16xf32>,
      tpu.vector_store %arg5[%swap3A_65], %broadcast_in_dim3A_7 {strides = array<i32>} : memref<10000xf32, #tpu.memory_space<vmem>>, vector<16xf32>,
      %scan3A_67 = arith.constant 0 : i32
      scf.yield %scan3A_67 : i32
    }
    %scan3A_13 = arith.constant 624 : i32
    %scan3A_14 = arith.addi %scan3A_8, %scan3A_13 : i32
    %mul3A_15 = arith.constant 16 : i32
    %mul3A_16 = arith.muli %scan3A_14, %mul3A_15 : i32
    %swap3A = arith.index_cast %mul3A_16 : i32 to index
    %swap3A_17 = tpu.vector_load %arg5[%swap3A] {strides = array<i32>} : memref<10000xf32, #tpu.memory_space<vmem>>, vector<16xf32>,
    tpu.vector_store %arg5[%swap3A], %broadcast_in_dim3A_7 {strides = array<i32>} : memref<10000xf32, #tpu.memory_space<vmem>>, vector<16xf32>,
    %scan3A_18 = arith.constant 0 : i32
    %scan3A_19 = arith.constant 625 : i32
    %dma_wait3A = arith.constant 1 : i32
    %dma_wait3A_20 = tpu.memref_slice %arg2[%dma_wait3A, %mul3A_2] : memref<2x320000xi32, #tpu.memory_space<hbm>> -> memref<1x10000xi32, #tpu.memory_space<hbm>>
    %dma_wait3A_21 = tpu.memref_squeeze %dma_wait3A_20 : memref<1x10000xi32, #tpu.memory_space<hbm>> -> memref<10000xi32, #tpu.memory_space<hbm>>
    %dma_wait3A_22 = tpu.memref_slice %arg2[%dma_wait3A, %mul3A_2] : memref<2x320000xi32, #tpu.memory_space<hbm>> -> memref<1x10000xi32, #tpu.memory_space<hbm>>
    %dma_wait3A_23 = tpu.memref_squeeze %dma_wait3A_22 : memref<1x10000xi32, #tpu.memory_space<hbm>> -> memref<10000xi32, #tpu.memory_space<hbm>>
    tpu.wait_dma2 semaphore(%arg6 : memref<!tpu.dma_semaphore, #tpu.memory_space<semaphore_mem>>) src(%dma_wait3A_23 : memref<10000xi32, #tpu.memory_space<hbm>>) dst(%arg4 : memref<10000xi32, #tpu.memory_space<vmem>>)
    %scan3A_24 = arith.constant 0 : i32
    %scan3A_25 = arith.constant 0 : i32
    %scan3A_26 = arith.constant 624 : i32
    %scan3A_27 = arith.addi %scan3A_25, %scan3A_26 : i32
    %scan3A_28 = arith.constant 4 : i32
    %scan3A_29 = scf.for %scan3A_40 = %scan3A_25 to %scan3A_27 step %scan3A_28 iter_args(%scan3A_41 = %scan3A_24) -> (i32)  : i32 {
      %mul3A_42 = arith.constant 16 : i32
      %mul3A_43 = arith.muli %scan3A_40, %mul3A_42 : i32
      %get3A_44 = arith.index_cast %mul3A_43 : i32 to index
      %get3A_45 = tpu.vector_load %arg4[%get3A_44] {strides = array<i32>} : memref<10000xi32, #tpu.memory_space<vmem>>, vector<16xi32>,
      %broadcast_in_dim3A_46 = arith.constant true
      %broadcast_in_dim3A_47 = vector.broadcast %broadcast_in_dim3A_46 : i1 to vector<16xi1>
      %unique3A_48, %unique3A_49 = tpu.scan_count mask(%broadcast_in_dim3A_47 : vector<16xi1>) value(%get3A_45 : vector<16xi32>) : vector<16xi1>, vector<16xi32>
      %convert_element_type3A_50 = arith.sitofp %unique3A_49 : vector<16xi32> to vector<16xf32>
      tpu.vector_store_idx %arg5[%get3A_45], %convert_element_type3A_50 masked %unique3A_48 {add = true} : memref<10000xf32, #tpu.memory_space<vmem>>[vector<16xi32>], vector<16xf32>, vector<16xi1>
      %scan3A_51 = arith.constant 0 : i32
      %scan3A_52 = arith.constant 1 : i32
      %scan3A_53 = arith.addi %scan3A_40, %scan3A_52 : i32
      %mul3A_54 = arith.constant 16 : i32
      %mul3A_55 = arith.muli %scan3A_53, %mul3A_54 : i32
      %get3A_56 = arith.index_cast %mul3A_55 : i32 to index
      %get3A_57 = tpu.vector_load %arg4[%get3A_56] {strides = array<i32>} : memref<10000xi32, #tpu.memory_space<vmem>>, vector<16xi32>,
      %broadcast_in_dim3A_58 = arith.constant true
      %broadcast_in_dim3A_59 = vector.broadcast %broadcast_in_dim3A_58 : i1 to vector<16xi1>
      %unique3A_60, %unique3A_61 = tpu.scan_count mask(%broadcast_in_dim3A_59 : vector<16xi1>) value(%get3A_57 : vector<16xi32>) : vector<16xi1>, vector<16xi32>
      %convert_element_type3A_62 = arith.sitofp %unique3A_61 : vector<16xi32> to vector<16xf32>
      tpu.vector_store_idx %arg5[%get3A_57], %convert_element_type3A_62 masked %unique3A_60 {add = true} : memref<10000xf32, #tpu.memory_space<vmem>>[vector<16xi32>], vector<16xf32>, vector<16xi1>
      %scan3A_63 = arith.constant 0 : i32
      %scan3A_64 = arith.constant 2 : i32
      %scan3A_65 = arith.addi %scan3A_40, %scan3A_64 : i32
      %mul3A_66 = arith.constant 16 : i32
      %mul3A_67 = arith.muli %scan3A_65, %mul3A_66 : i32
      %get3A_68 = arith.index_cast %mul3A_67 : i32 to index
      %get3A_69 = tpu.vector_load %arg4[%get3A_68] {strides = array<i32>} : memref<10000xi32, #tpu.memory_space<vmem>>, vector<16xi32>,
      %broadcast_in_dim3A_70 = arith.constant true
      %broadcast_in_dim3A_71 = vector.broadcast %broadcast_in_dim3A_70 : i1 to vector<16xi1>
      %unique3A_72, %unique3A_73 = tpu.scan_count mask(%broadcast_in_dim3A_71 : vector<16xi1>) value(%get3A_69 : vector<16xi32>) : vector<16xi1>, vector<16xi32>
      %convert_element_type3A_74 = arith.sitofp %unique3A_73 : vector<16xi32> to vector<16xf32>
      tpu.vector_store_idx %arg5[%get3A_69], %convert_element_type3A_74 masked %unique3A_72 {add = true} : memref<10000xf32, #tpu.memory_space<vmem>>[vector<16xi32>], vector<16xf32>, vector<16xi1>
      %scan3A_75 = arith.constant 0 : i32
      %scan3A_76 = arith.constant 3 : i32
      %scan3A_77 = arith.addi %scan3A_40, %scan3A_76 : i32
      %mul3A_78 = arith.constant 16 : i32
      %mul3A_79 = arith.muli %scan3A_77, %mul3A_78 : i32
      %get3A_80 = arith.index_cast %mul3A_79 : i32 to index
      %get3A_81 = tpu.vector_load %arg4[%get3A_80] {strides = array<i32>} : memref<10000xi32, #tpu.memory_space<vmem>>, vector<16xi32>,
      %broadcast_in_dim3A_82 = arith.constant true
      %broadcast_in_dim3A_83 = vector.broadcast %broadcast_in_dim3A_82 : i1 to vector<16xi1>
      %unique3A_84, %unique3A_85 = tpu.scan_count mask(%broadcast_in_dim3A_83 : vector<16xi1>) value(%get3A_81 : vector<16xi32>) : vector<16xi1>, vector<16xi32>
      %convert_element_type3A_86 = arith.sitofp %unique3A_85 : vector<16xi32> to vector<16xf32>
      tpu.vector_store_idx %arg5[%get3A_81], %convert_element_type3A_86 masked %unique3A_84 {add = true} : memref<10000xf32, #tpu.memory_space<vmem>>[vector<16xi32>], vector<16xf32>, vector<16xi1>
      %scan3A_87 = arith.constant 0 : i32
      scf.yield %scan3A_87 : i32
    }
    %scan3A_30 = arith.constant 624 : i32
    %scan3A_31 = arith.addi %scan3A_25, %scan3A_30 : i32
    %mul3A_32 = arith.constant 16 : i32
    %mul3A_33 = arith.muli %scan3A_31, %mul3A_32 : i32
    %get3A = arith.index_cast %mul3A_33 : i32 to index
    %get3A_34 = tpu.vector_load %arg4[%get3A] {strides = array<i32>} : memref<10000xi32, #tpu.memory_space<vmem>>, vector<16xi32>,
    %broadcast_in_dim3A_35 = arith.constant true
    %broadcast_in_dim3A_36 = vector.broadcast %broadcast_in_dim3A_35 : i1 to vector<16xi1>
    %unique3A, %unique3A_37 = tpu.scan_count mask(%broadcast_in_dim3A_36 : vector<16xi1>) value(%get3A_34 : vector<16xi32>) : vector<16xi1>, vector<16xi32>
    %convert_element_type3A = arith.sitofp %unique3A_37 : vector<16xi32> to vector<16xf32>
    tpu.vector_store_idx %arg5[%get3A_34], %convert_element_type3A masked %unique3A {add = true} : memref<10000xf32, #tpu.memory_space<vmem>>[vector<16xi32>], vector<16xf32>, vector<16xi1>
    %scan3A_38 = arith.constant 0 : i32
    %scan3A_39 = arith.constant 625 : i32
    "tpu.region"() ({
      %run_scoped3A = tpu.sem_alloc : memref<!tpu.dma_semaphore, #tpu.memory_space<semaphore_mem>>
      %dma_start3A_40 = arith.constant 0 : i32
      %dma_start3A_41 = tpu.memref_slice %arg3[%add3A, %dma_start3A_40] : memref<32x10000xf32, #tpu.memory_space<hbm>> -> memref<1x10000xf32, #tpu.memory_space<hbm>>
      %dma_start3A_42 = tpu.memref_squeeze %dma_start3A_41 : memref<1x10000xf32, #tpu.memory_space<hbm>> -> memref<10000xf32, #tpu.memory_space<hbm>>
      %dma_start3A_43 = arith.constant 0 : i32
      %dma_start3A_44 = tpu.memref_slice %arg3[%add3A, %dma_start3A_43] : memref<32x10000xf32, #tpu.memory_space<hbm>> -> memref<1x10000xf32, #tpu.memory_space<hbm>>
      %dma_start3A_45 = tpu.memref_squeeze %dma_start3A_44 : memref<1x10000xf32, #tpu.memory_space<hbm>> -> memref<10000xf32, #tpu.memory_space<hbm>>
      tpu.enqueue_dma source(%arg5 : memref<10000xf32, #tpu.memory_space<vmem>>) target(%dma_start3A_45 : memref<10000xf32, #tpu.memory_space<hbm>>) target_semaphore(%run_scoped3A : memref<!tpu.dma_semaphore, #tpu.memory_space<semaphore_mem>>)
      %dma_wait3A_46 = arith.constant 0 : i32
      %dma_wait3A_47 = tpu.memref_slice %arg3[%add3A, %dma_wait3A_46] : memref<32x10000xf32, #tpu.memory_space<hbm>> -> memref<1x10000xf32, #tpu.memory_space<hbm>>
      %dma_wait3A_48 = tpu.memref_squeeze %dma_wait3A_47 : memref<1x10000xf32, #tpu.memory_space<hbm>> -> memref<10000xf32, #tpu.memory_space<hbm>>
      %dma_wait3A_49 = arith.constant 0 : i32
      %dma_wait3A_50 = tpu.memref_slice %arg3[%add3A, %dma_wait3A_49] : memref<32x10000xf32, #tpu.memory_space<hbm>> -> memref<1x10000xf32, #tpu.memory_space<hbm>>
      %dma_wait3A_51 = tpu.memref_squeeze %dma_wait3A_50 : memref<1x10000xf32, #tpu.memory_space<hbm>> -> memref<10000xf32, #tpu.memory_space<hbm>>
      tpu.wait_dma2 semaphore(%run_scoped3A : memref<!tpu.dma_semaphore, #tpu.memory_space<semaphore_mem>>) src(%arg5 : memref<10000xf32, #tpu.memory_space<vmem>>) dst(%dma_wait3A_51 : memref<10000xf32, #tpu.memory_space<hbm>>)
      tpu.yield
    }) : () -> ()
    return
  }
}

module attributes {stable_mosaic.version = 14 : i64} {
  func.func @_t1_body(%arg0: memref<10000x128xf32, #tpu.memory_space<vmem>>, %arg1: memref<128x64xf32, #tpu.memory_space<vmem>>, %arg2: memref<32x10000xf32, #tpu.memory_space<vmem>>, %arg3: memref<10000x64xf32, #tpu.memory_space<vmem>>, %arg4: memref<10000x1xf32, #tpu.memory_space<vmem>>) attributes {dimension_semantics = [], scalar_prefetch = 0 : i64, scratch_operands = 0 : i64, tpu.core_type = #tpu.core_type<tc>} {
    %get3A = arith.constant 0 : index
    %get3A_0 = arith.constant 0 : index
    %get3A_1 = vector.load %arg2[%get3A, %get3A_0] : memref<32x10000xf32, #tpu.memory_space<vmem>>, vector<32x10000xf32>
    %reduce_sum3A = arith.constant dense<0.000000e+00> : vector<10000xf32>
    %reduce_sum3A_2 = vector.multi_reduction <add>, %get3A_1, %reduce_sum3A [0] : vector<32x10000xf32> to vector<10000xf32>
    %add3A = arith.constant 1.000000e+00 : f32
    %add3A_3 = vector.broadcast %add3A : f32 to vector<10000xf32>
    %add3A_4 = arith.addf %reduce_sum3A_2, %add3A_3 : vector<10000xf32>
    %max3A = arith.constant 9.99999996E-13 : f32
    %max3A_5 = vector.broadcast %max3A : f32 to vector<10000xf32>
    %max3A_6 = arith.maximumf %add3A_4, %max3A_5 : vector<10000xf32>
    %rsqrt3A = math.rsqrt %max3A_6 : vector<10000xf32>
    %broadcast_in_dim3A = vector.shape_cast %rsqrt3A : vector<10000xf32> to vector<10000x1xf32>
    %get3A_7 = arith.constant 0 : index
    %get3A_8 = arith.constant 0 : index
    %get3A_9 = vector.load %arg0[%get3A_7, %get3A_8] : memref<10000x128xf32, #tpu.memory_space<vmem>>, vector<10000x128xf32>
    %get3A_10 = arith.constant 0 : index
    %get3A_11 = arith.constant 0 : index
    %get3A_12 = vector.load %arg1[%get3A_10, %get3A_11] : memref<128x64xf32, #tpu.memory_space<vmem>>, vector<128x64xf32>
    %dot_general3A = arith.constant dense<0.000000e+00> : vector<10000x64xf32>
    %dot_general3A_13 = tpu.matmul %get3A_9, %get3A_12, %dot_general3A {dimension_numbers = #tpu.dot_dimension_numbers<[1], [0], [0], [1], [0, 0, 1, 1], [], []>, transpose_lhs_hint = false} : vector<10000x128xf32>, vector<128x64xf32>, vector<10000x64xf32> -> vector<10000x64xf32>
    %mul3A = vector.broadcast %broadcast_in_dim3A : vector<10000x1xf32> to vector<10000x64xf32>
    %mul3A_14 = arith.mulf %dot_general3A_13, %mul3A : vector<10000x64xf32>
    %swap3A = arith.constant 0 : index
    %swap3A_15 = arith.constant 0 : index
    %swap3A_16 = vector.load %arg3[%swap3A, %swap3A_15] : memref<10000x64xf32, #tpu.memory_space<vmem>>, vector<10000x64xf32>
    tpu.vector_store %arg3[%swap3A, %swap3A_15], %mul3A_14 {strides = array<i32>} : memref<10000x64xf32, #tpu.memory_space<vmem>>, vector<10000x64xf32>,
    %swap3A_17 = arith.constant 0 : index
    %swap3A_18 = arith.constant 0 : index
    %swap3A_19 = vector.load %arg4[%swap3A_17, %swap3A_18] : memref<10000x1xf32, #tpu.memory_space<vmem>>, vector<10000x1xf32>
    tpu.vector_store %arg4[%swap3A_17, %swap3A_18], %broadcast_in_dim3A {strides = array<i32>} : memref<10000x1xf32, #tpu.memory_space<vmem>>, vector<10000x1xf32>,
    return
  }
}

module attributes {stable_mosaic.version = 14 : i64} {
  func.func @_t2_body(%arg0: memref<20000x64xf32, #tpu.memory_space<vmem>>, %arg1: memref<10000x64xf32, #tpu.memory_space<vmem>>, %arg2: memref<10000x1xf32, #tpu.memory_space<vmem>>, %arg3: memref<64xf32, #tpu.memory_space<vmem>>, %arg4: memref<64x64xf32, #tpu.memory_space<vmem>>, %arg5: memref<10000x64xf32, #tpu.memory_space<vmem>>) attributes {dimension_semantics = [], scalar_prefetch = 0 : i64, scratch_operands = 0 : i64, tpu.core_type = #tpu.core_type<tc>} {
    %get3A = arith.constant 0 : index
    %get3A_0 = arith.constant 0 : index
    %get3A_1 = vector.load %arg2[%get3A, %get3A_0] : memref<10000x1xf32, #tpu.memory_space<vmem>>, vector<10000x1xf32>
    %get3A_2 = arith.constant 0 : index
    %get3A_3 = arith.constant 0 : index
    %get3A_4 = vector.load %arg0[%get3A_2, %get3A_3] : memref<20000x64xf32, #tpu.memory_space<vmem>>, vector<10000x64xf32>
    %get3A_5 = arith.constant 10000 : index
    %get3A_6 = arith.constant 0 : index
    %get3A_7 = vector.load %arg0[%get3A_5, %get3A_6] : memref<20000x64xf32, #tpu.memory_space<vmem>>, vector<10000x64xf32>
    %add3A = arith.addf %get3A_4, %get3A_7 : vector<10000x64xf32>
    %get3A_8 = arith.constant 0 : index
    %get3A_9 = arith.constant 0 : index
    %get3A_10 = vector.load %arg1[%get3A_8, %get3A_9] : memref<10000x64xf32, #tpu.memory_space<vmem>>, vector<10000x64xf32>
    %add3A_11 = arith.addf %add3A, %get3A_10 : vector<10000x64xf32>
    %mul3A = vector.broadcast %get3A_1 : vector<10000x1xf32> to vector<10000x64xf32>
    %mul3A_12 = arith.mulf %add3A_11, %mul3A : vector<10000x64xf32>
    %get3A_13 = arith.constant 0 : index
    %get3A_14 = vector.load %arg3[%get3A_13] : memref<64xf32, #tpu.memory_space<vmem>>, vector<64xf32>
    %broadcast_in_dim3A = vector.shape_cast %get3A_14 : vector<64xf32> to vector<1x64xf32>
    %add3A_15 = vector.broadcast %broadcast_in_dim3A : vector<1x64xf32> to vector<10000x64xf32>
    %add3A_16 = arith.addf %mul3A_12, %add3A_15 : vector<10000x64xf32>
    %max3A = arith.constant 0.000000e+00 : f32
    %max3A_17 = vector.broadcast %max3A : f32 to vector<10000x64xf32>
    %max3A_18 = arith.maximumf %add3A_16, %max3A_17 : vector<10000x64xf32>
    %get3A_19 = arith.constant 0 : index
    %get3A_20 = arith.constant 0 : index
    %get3A_21 = vector.load %arg4[%get3A_19, %get3A_20] : memref<64x64xf32, #tpu.memory_space<vmem>>, vector<64x64xf32>
    %dot_general3A = arith.constant dense<0.000000e+00> : vector<10000x64xf32>
    %dot_general3A_22 = tpu.matmul %max3A_18, %get3A_21, %dot_general3A {dimension_numbers = #tpu.dot_dimension_numbers<[1], [0], [0], [1], [0, 0, 1, 1], [], []>, transpose_lhs_hint = false} : vector<10000x64xf32>, vector<64x64xf32>, vector<10000x64xf32> -> vector<10000x64xf32>
    %mul3A_23 = vector.broadcast %get3A_1 : vector<10000x1xf32> to vector<10000x64xf32>
    %mul3A_24 = arith.mulf %dot_general3A_22, %mul3A_23 : vector<10000x64xf32>
    %swap3A = arith.constant 0 : index
    %swap3A_25 = arith.constant 0 : index
    %swap3A_26 = vector.load %arg5[%swap3A, %swap3A_25] : memref<10000x64xf32, #tpu.memory_space<vmem>>, vector<10000x64xf32>
    tpu.vector_store %arg5[%swap3A, %swap3A_25], %mul3A_24 {strides = array<i32>} : memref<10000x64xf32, #tpu.memory_space<vmem>>, vector<10000x64xf32>,
    return
  }
}

module attributes {stable_mosaic.version = 14 : i64} {
  func.func @_t3_body(%arg0: memref<20000x64xf32, #tpu.memory_space<vmem>>, %arg1: memref<10000x64xf32, #tpu.memory_space<vmem>>, %arg2: memref<10000x1xf32, #tpu.memory_space<vmem>>, %arg3: memref<64xf32, #tpu.memory_space<vmem>>, %arg4: memref<10000x64xf32, #tpu.memory_space<vmem>>) attributes {dimension_semantics = [], scalar_prefetch = 0 : i64, scratch_operands = 0 : i64, tpu.core_type = #tpu.core_type<tc>} {
    %get3A = arith.constant 0 : index
    %get3A_0 = arith.constant 0 : index
    %get3A_1 = vector.load %arg0[%get3A, %get3A_0] : memref<20000x64xf32, #tpu.memory_space<vmem>>, vector<10000x64xf32>
    %get3A_2 = arith.constant 10000 : index
    %get3A_3 = arith.constant 0 : index
    %get3A_4 = vector.load %arg0[%get3A_2, %get3A_3] : memref<20000x64xf32, #tpu.memory_space<vmem>>, vector<10000x64xf32>
    %add3A = arith.addf %get3A_1, %get3A_4 : vector<10000x64xf32>
    %get3A_5 = arith.constant 0 : index
    %get3A_6 = arith.constant 0 : index
    %get3A_7 = vector.load %arg1[%get3A_5, %get3A_6] : memref<10000x64xf32, #tpu.memory_space<vmem>>, vector<10000x64xf32>
    %add3A_8 = arith.addf %add3A, %get3A_7 : vector<10000x64xf32>
    %get3A_9 = arith.constant 0 : index
    %get3A_10 = arith.constant 0 : index
    %get3A_11 = vector.load %arg2[%get3A_9, %get3A_10] : memref<10000x1xf32, #tpu.memory_space<vmem>>, vector<10000x1xf32>
    %mul3A = vector.broadcast %get3A_11 : vector<10000x1xf32> to vector<10000x64xf32>
    %mul3A_12 = arith.mulf %add3A_8, %mul3A : vector<10000x64xf32>
    %get3A_13 = arith.constant 0 : index
    %get3A_14 = vector.load %arg3[%get3A_13] : memref<64xf32, #tpu.memory_space<vmem>>, vector<64xf32>
    %broadcast_in_dim3A = vector.shape_cast %get3A_14 : vector<64xf32> to vector<1x64xf32>
    %add3A_15 = vector.broadcast %broadcast_in_dim3A : vector<1x64xf32> to vector<10000x64xf32>
    %add3A_16 = arith.addf %mul3A_12, %add3A_15 : vector<10000x64xf32>
    %max3A = arith.constant 0.000000e+00 : f32
    %max3A_17 = vector.broadcast %max3A : f32 to vector<10000x64xf32>
    %max3A_18 = arith.maximumf %add3A_16, %max3A_17 : vector<10000x64xf32>
    %swap3A = arith.constant 0 : index
    %swap3A_19 = arith.constant 0 : index
    %swap3A_20 = vector.load %arg4[%swap3A, %swap3A_19] : memref<10000x64xf32, #tpu.memory_space<vmem>>, vector<10000x64xf32>
    tpu.vector_store %arg4[%swap3A, %swap3A_19], %max3A_18 {strides = array<i32>} : memref<10000x64xf32, #tpu.memory_space<vmem>>, vector<10000x64xf32>,
    return
  }
}

</mosaic_0001>

<sc_bundles>
// kernel: kernel.11.cloned.1.call-start
scs
__scs_entry_jumppad:
0x0: {  	(pc) =	sbr.rel $0x88, $3  }
0x1: {  	(tag) =	ssettag $0x0;
	lr =	simm.s32 $0x1  }
0x2: {  	[smem:$0x3F9B] =	sst lr;
	_ =	strace $0xD0000000  }
0x3: {  	_ = 	snop  }
0x4: {  	_ = 	snop  }
0x5: {  	_ = 	snop  }
0x6: {  	_ = 	snop  }
0x7: {  	_ = 	snop  }
__scs_overlays_trampoline_lowered:
0x8: {  	[smem:$0x3FAA] =	sst s0  }
0x9: {  	[smem:$0x3FAB] =	sst s1  }
0xa: {  	[smem:$0x3FAC] =	sst s2  }
0xb: {  	[smem:$0x3FAD] =	sst s3  }
0xc: {  	[smem:$0x3FAE] =	sst s4  }
0xd: {  	[smem:$0x3FAF] =	sst s5  }
0xe: {  	[smem:$0x3FB0] =	sst s6  }
0xf: {  	[smem:$0x3FB1] =	sst s7  }
0x10: {  	[smem:$0x3FB2] =	sst s8  }
0x11: {  	[smem:$0x3FB3] =	sst s9;
	s0 =	simm.s32 @!p0 $0x0  }
0x12: {  	s1 =	sld [smem:$0x3F99];
	s0 =	simm.s32 @p0 $0x1  }
0x13: {  	[smem:$0x3FB4] =	sst s0;
	s0 =	simm.s32 @!p1 $0x0  }
0x14: {  	s2 =	sld [smem:$0x3F98];
	s0 =	simm.s32 @p1 $0x1  }
0x15: {  	[smem:$0x3FB5] =	sst s0;
	s0 =	simm.s32 @!p2 $0x0  }
0x16: {  	s3 =	sld [smem:$0x3FDB];
	s0 =	simm.s32 @p2 $0x1  }
0x17: {  	s4 =	simm.s32 $0x1BF5;
	[smem:$0x3FB7] =	sst s0  }
0x18: {  	s0 =	sld [smem:$0x3F9A];
	_ =	swait.ge [sflag:s4], $0x0  }
0x19: {  	s7 =	sld [smem:$0x3F9B]  }
0x1a: {  	s8 =	sadd.s32 $0xFFFFE003, lr  }
0x1b: {  	s9 =	sadd.s32 $0xFFFFFEF7, lr;
	s5 =	simm.s32 $0xFFFFFFFF;
	p2 =	slt.u32 s8, $0xFFFFF086  }
0x1c: {  	p1 =	slt.u32 s9, $0xF7A;
	s5 =	simm.s32 @!p2 $0x0  }
0x1d: {  	s5 =	simm.s32 @p1 $0x1;
	p0 =	seq.s32 s7, s2  }
0x1e: {  	s7 =	smul.u32 @!p0 $0xF7A, s2;
	p2 =	seq.s32 @!p0 s5, $0x0  }
0x1f: {  	s9 =	smul.u32 $0xF7A, s1;
	s8 =	simm.s32 @!p0 $0x1BF5;
	p2 =	por !p2, p0  }
0x20: {  	[sflag:s8] =	ssyncset.s32 @!p0 $0xFFFFF086;
	s6 =	sadd.s32 @!p0 s3, s7;
	s7 =	simm.s32 @!p0 $0x108  }
0x21: {  	s3 =	sadd.s32 s3, s9;
	s6 =	sadd.s32 @!p0 $0x88, s6;
	s7 =	simm.s32 @p2 $0x1082  }
0x22: {  	[simem:s7], [sflag:s8] =	dma.local @!p0 [hbm:s6], $0xF7A  }
0x23: {  	s9 =	sor.u32 $0xD0000000, s2;
	s6 =	simm.s32 $0x108;
	_ =	swait.ge @!p0 [sflag:s8], $0x0  }
0x24: {  	s3 =	sadd.s32 $0x88, s3;
	s6 =	simm.s32 @!p1 $0x1082;
	[sflag:s4] =	ssyncset.s32 $0xFFFFF086  }
0x25: {  	[simem:s6], [sflag:s4] =	dma.local [hbm:s3], $0xF7A  }
0x26: {  	[smem:$0x3F9B] =	sst s1;
	(tag) =	ssettag s2;
	_ =	strace s9  }
0x27: {  	s1 =	sld [smem:$0x3FAB]  }
0x28: {  	s2 =	sld [smem:$0x3FAC]  }
0x29: {  	s4 =	sld [smem:$0x3FAE]  }
0x2a: {  	p0 =	seq.s32 s5, $0x0;
	s5 =	sld [smem:$0x3FAF]  }
0x2b: {  	s6 =	sld [smem:$0x3FB0]  }
0x2c: {  	s7 =	sld [smem:$0x3FB1]  }
0x2d: {  	s3 =	simm.s32 $0x108;
	s8 =	sld [smem:$0x3FB2]  }
0x2e: {  	s3 =	simm.s32 @!p0 $0x1082;
	s9 =	sld [smem:$0x3FB3]  }
0x2f: {  	lr =	sadd.s32 s0, s3;
	s0 =	sld [smem:$0x3FAA]  }
0x30: {  	s3 =	sld [smem:$0x3FAD]  }
0x31: {  	[smem:$0x3FB6] =	sst s10  }
0x32: {  	s10 =	sld [smem:$0x3FB4];
	_ =	sdelay $0x3  }
0x33: {  	p0 =	seq.s32 s10, $0x1;
	s10 =	sld [smem:$0x3FB6];
	_ =	sdelay $0x3  }
0x34: {  	[smem:$0x3FB6] =	sst s10  }
0x35: {  	s10 =	sld [smem:$0x3FB5];
	_ =	sdelay $0x3  }
0x36: {  	p1 =	seq.s32 s10, $0x1;
	s10 =	sld [smem:$0x3FB6];
	_ =	sdelay $0x3  }
0x37: {  	[smem:$0x3FB6] =	sst s10  }
0x38: {  	s10 =	sld [smem:$0x3FB7]  }
0x39: {  	_ = 	snop;
	(pc) =	sbr.ind lr, $3  }
0x3a: {  	_ = 	snop  }
0x3b: {  	_ = 	snop  }
0x3c: {  	p2 =	seq.s32 s10, $0x1;
	s10 =	sld [smem:$0x3FB6]  }
0x3d: {  	_ =	shalt  }
0x3e: {  	_ =	shalt  }
0x3f: {  	_ =	shalt  }
0x40: {  	_ =	shalt  }
0x41: {  	_ =	shalt  }
0x42: {  	_ =	shalt  }
0x43: {  	_ =	shalt  }
0x44: {  	_ =	shalt  }
0x45: {  	_ =	shalt  }
0x46: {  	_ =	shalt  }
0x47: {  	_ =	shalt  }
0x48: {  	_ =	shalt  }
0x49: {  	_ =	shalt  }
0x4a: {  	_ =	shalt  }
0x4b: {  	_ =	shalt  }
0x4c: {  	_ =	shalt  }
0x4d: {  	_ =	shalt  }
0x4e: {  	_ =	shalt  }
0x4f: {  	_ =	shalt  }
0x50: {  	_ =	shalt  }
0x51: {  	_ =	shalt  }
0x52: {  	_ =	shalt  }
0x53: {  	_ =	shalt  }
0x54: {  	_ =	shalt  }
0x55: {  	_ =	shalt  }
0x56: {  	_ =	shalt  }
0x57: {  	_ =	shalt  }
0x58: {  	_ =	shalt  }
0x59: {  	_ =	shalt  }
0x5a: {  	_ =	shalt  }
0x5b: {  	_ =	shalt  }
0x5c: {  	_ =	shalt  }
0x5d: {  	_ =	shalt  }
0x5e: {  	_ =	shalt  }
0x5f: {  	_ =	shalt  }
0x60: {  	_ =	shalt  }
0x61: {  	_ =	shalt  }
0x62: {  	_ =	shalt  }
0x63: {  	_ =	shalt  }
0x64: {  	_ =	shalt  }
0x65: {  	_ =	shalt  }
0x66: {  	_ =	shalt  }
0x67: {  	_ =	shalt  }
0x68: {  	_ =	shalt  }
0x69: {  	_ =	shalt  }
0x6a: {  	_ =	shalt  }
0x6b: {  	_ =	shalt  }
0x6c: {  	_ =	shalt  }
0x6d: {  	_ =	shalt  }
0x6e: {  	_ =	shalt  }
0x6f: {  	_ =	shalt  }
0x70: {  	_ =	shalt  }
0x71: {  	_ =	shalt  }
0x72: {  	_ =	shalt  }
0x73: {  	_ =	shalt  }
0x74: {  	_ =	shalt  }
0x75: {  	_ =	shalt  }
0x76: {  	_ =	shalt  }
0x77: {  	_ =	shalt  }
0x78: {  	_ =	shalt  }
0x79: {  	_ =	shalt  }
0x7a: {  	_ =	shalt  }
0x7b: {  	_ =	shalt  }
0x7c: {  	_ =	shalt  }
0x7d: {  	_ =	shalt  }
0x7e: {  	_ =	shalt  }
0x7f: {  	_ =	shalt  }
0x80: {  	_ =	shalt  }
0x81: {  	_ =	shalt  }
0x82: {  	_ =	shalt  }
0x83: {  	_ =	shalt  }
0x84: {  	_ =	shalt  }
0x85: {  	_ =	shalt  }
0x86: {  	_ =	shalt  }
0x87: {  	_ =	shalt  }
.Lfunc_end0:
.L_simem_size_0:
called_computation.1_lowered:
.L_overlay_start_0:
0x88: {  	s2 =	sld [smem:$0x3FD9]  }
0x89: {  	s3 =	sld [smem:$0x3FFE];
	_ =	sdelay $0x1  }
0x8a: {  	s1 =	srdreg.scid  }
0x8b: {  	s0 =	sand.u32 $0x1, s1  }
0x8c: {  	s17 =	sshll.u32 s0, $0xA;
	s2 =	sadd.s32 s3, s2  }
0x8d: {  	s2 =	sadd.s32 s2, s17  }
0x8e: {  	[smem:$0x3FC2] =	sst s2  }
0x8f: {  	_ = 	snop  }
0x90: {  	s2 =	sld [smem:$0x3FD0];
	(tm) =	ssettm $0x1  }
0x91: {  	s18 =	sld [smem:$0x3FFB];
	_ =	sdelay $0x3  }
0x92: {  	_ =	strace s18  }
0x93: {  	s3 =	sld [smem:$0x3FFC];
	_ =	sdelay $0x3  }
0x94: {  	_ =	strace s3  }
0x95: {  	s3 =	sld [smem:$0x3FFD];
	_ =	sdelay $0x3  }
0x96: {  	_ =	strace s3  }
0x97: {  	_ =	strace $0x8FFFFFFF  }
0x98: {  	s19 =	sld [smem:$0x3FDB];
	_ =	sdelay $0x1  }
0x99: {  	s4 =	simm.s32 $_scs_section_size  }
0x9a: {  	s5 =	simm.s32 $_size__tile_overlayer_lowered;
	s6 =	simm.s32 $_tile_overlayer_lowered  }
0x9b: {  	s22 =	simm.s32 $0x1BFF;
	s21 =	sshll.u32 s6, $0x1;
	s3 =	sadd.s32 s4, s19  }
0x9c: {  	s7 =	simm.s32 $0x0;
	s20 =	sshll.u32 s5, $0x1;
	s5 =	sadd.s32 s21, s3  }
0x9d: {  	[timem:s7], [sflag:s22] =	dma.local [hbm:s5], s20  }
0x9e: {  	_ =	swait.ge [sflag:s22], s20  }
0x9f: {  	s4 =	ssub.s32 $0x0, s20;
	[sflag:s22] =	ssyncset.done $0x0  }
0xa0: {  	[sflag:s22] =	ssyncadd.s32 s4;
	_ =	sdelay $0x1  }
0xa1: {  	s23 =	simm.s32 $0x1B8B  }
0xa2: {  	_ =	swait.ge [sflag:s23], $0x1  }
0xa3: {  	[sflag:s23] =	ssyncset.done $0x0  }
0xa4: {  	s25 =	simm.s32 $0x1B8E;
	s24 =	sld [smem:$0x3FFE];
	[sflag:s23] =	ssyncadd.s32 $0xFFFFFFFF  }
0xa5: {  	s26 =	simm.s32 $execute0_lowered;
	[smem:$0x3FD2] =	sst s25  }
0xa6: {  	s5 =	sshll.u32 s26, $0x1;
	_ =	strace $0x80000049;
	[dreg:$0x1] =	wrdreg $0xFFFFFFFF  }
0xa7: {  	s28 =	simm.s32 $_size_execute0_lowered;
	s3 =	sadd.s32 s3, s5;
	[dreg:$0x0] =	wrdreg $0x0  }
0xa8: {  	s5 =	sshll.u32 s28, $0x1;
	[dreg:$0x2] =	wrdreg s3  }
0xa9: {  	[dreg:$0x3] =	wrdreg s5  }
0xaa: {  	[dreg:$0x4] =	wrdreg $0xC0  }
0xab: {  	_ =	task [dreg:s7], $0x5FFFF  }
0xac: {  	[dreg:$0x1] =	wrdreg $0xFFFFFFFF  }
0xad: {  	[dreg:$0x0] =	wrdreg $0x60  }
0xae: {  	[dreg:$0x2] =	wrdreg s24  }
0xaf: {  	[dreg:$0x3] =	wrdreg s2  }
0xb0: {  	[dreg:$0x4] =	wrdreg $0x135600  }
0xb1: {  	[dreg:$0x5] =	wrdreg $0x9  }
0xb2: {  	_ =	task.clear_ibuf [dreg:s7], $0x6FFFF;
	_ =	strace $0x90000049  }
0xb3: {  	s29 =	simm.s32 $0x9;
	_ =	strace $0x8000004B  }
0xb4: {  	_ =	swait.ge [sflag:s29], $0x1  }
0xb5: {  	[sflag:s29] =	ssyncadd.s32 $0xFFFFFFFF  }
0xb6: {  	_ =	strace $0x9000004B  }
0xb7: {  	_ =	sfence  }
0xb8: {  	s30 =	sld [smem:$0x0];
	_ =	sdelay $0x2  }
0xb9: {  	s31 =	sshll.u32 s1, $0xD;
	s1 =	sshrl.u32 s1, $0x2  }
0xba: {  	s3 =	sand.u32 $0x4000, s31;
	s1 =	sadd.s32 s1, s30  }
0xbb: {  	s0 =	sor.u32 s3, s0;
	s1 =	sshll.u32 s1, $0x11  }
0xbc: {  	s0 =	sor.u32 s1, s0  }
0xbd: {  	s0 =	sadd.s32 $0x8F2B, s0  }
0xbe: {  	[sflag:s0] =	ssyncadd.remote.s32 $0x1  }
0xbf: {  	_ =	sfence.sel $0xFFFF  }
0xc0: {  	[dreg:$0x0] =	wrdreg $0xFFFFFFFF;
	(pc) =	sbr.abs _section_cstart, $3  }
0xc1: {  	[dreg:$0x1] =	wrdreg $0xFFFFFFFF  }
0xc2: {  	_ =	task.clear_ibuf [dreg:s7], $0x2FFFF;
	_ =	strace $0x9FFFFFFF  }
0xc3: {  	(tm) =	ssettm $0x7FFFFFFF  }
tec
execute0_lowered:
.L_overlay_start_1:
0x0: {  	(tag) =	ssettag $0x1  }
0x1: {  	s0 =	rddreg [dreg:$0x0]  }
0x2: {  	s1 =	rddreg [dreg:$0x1]  }
0x3: {  	s2 =	rddreg [dreg:$0x2];
	s4 =	srdreg.scid;
	s3 =	simm.s32 $0x0  }
0x4: {  	s9 =	stileid.u32;
	s15 =	simm.s32 $0x15;
	s16 =	simm.s32 $0x50  }
0x5: {  	s28 =	simm.s32 $0x1E0;
	s29 =	simm.s32 $0xC620;
	s30 =	simm.s32 $0x230  }
0x6: {  	s31 =	simm.s32 $0xDA20;
	s14 =	simm.s32 $0x11620;
	s17 =	simm.s32 $0x16  }
0x7: {  	s18 =	simm.s32 $0xF;
	s19 =	simm.s32 $0x0;
	s8 =	smul.u32 $0x1388, s9  }
0x8: {  	s5 =	sand.u32 $0x1, s4;
	s24 =	sshll.u32 s9, $0x1;
	s9 =	smul.u32 $0x27100, s9  }
0x9: {  	[smem:$0x7FF] =	sst s3;
	s4 =	sadd.s32 $0x15800, s0;
	s6 =	smul.u32 $0x13880, s5  }
0xa: {  	_ =	strace $0x8000004A;
	s7 =	sor.u32 s5, s24;
	s5 =	ssub.s32 $0x2, s5  }
0xb: {  	s7 =	smul.u32 $0x4E2, s7;
	s25 =	sshrl.u32 s5, $0x1;
	s26 =	sshrl.u32 s9, $0x2  }
0xc: {  	s6 =	sadd.s32 s8, s6;
	s11 =	ssub.s32 s5, s25;
	s8 =	sadd.s32 s26, s2  }
0xd: {  	s10 =	sadd.s32 s7, s0;
	s0 =	sadd.s32 s6, s0;
	s5 =	sadd.s32 s1, s7  }
0xe: {  	s9 =	smax.u32 s11, $0x1;
	s11 =	sadd.s32 $0x3E80, s8;
	s12 =	sadd.s32 $0x5DC0, s8  }
0xf: {  	s13 =	sadd.s32 $0x7D00, s8;
	s1 =	simm.s32 $0xEE20;
	s6 =	sadd.s32 $0xBA00, s10  }
0x10: {  	v0 =	vimm.f32 $0.0e+00;
	s7 =	sadd.s32 $0x29200, s0;
	s10 =	sadd.s32 $0x1F40, s8;
	s0 =	simm.s32 $0x280  }
.LBB2_1:
0x11: {  	[tilespmem:s3], [sflag:$0x15] =	stream.linear.gather [hbm4b:s5+s3], $0x2710, $0x38;
	[tilespmem:$0x1D1A0] =	vst v63  }
0x12: {  	s20 =	simm.s32 $0x2710  }
0x13: {  	[tilespmem:s20], [sflag:$0x15] =	stream.linear.gather [hbm4b:s6+s3], $0x2710, $0x38;
	[tilespmem:$0x1D1A0] =	vst v63  }
0x14: {  	_ =	swait.ge [sflag:s15], $0x2710  }
0x15: {  	[sflag:s15] =	ssyncset.done $0x0  }
0x16: {  	s24 =	simm.s32 $0x4E20;
	[sflag:s15] =	ssyncadd.s32 $0xFFFFD8F0  }
0x17: {  	[tilespmem:s24], [sflag:$0x1] =	stream.indirect.gather [hbm4b:s4+s16], $0x40, s3, s16, $0xb8;
	[tilespmem:$0x1D1A0] =	vst v63  }
0x18: {  	s25 =	simm.s32 $0x6220  }
0x19: {  	[tilespmem:s25], [sflag:$0x2] =	stream.indirect.gather [hbm4b:s4+s16], $0x40, s16, s16, $0xb8;
	[tilespmem:$0x1D1A0] =	vst v63  }
0x1a: {  	s26 =	simm.s32 $0xA0;
	s21 =	simm.s32 $0x7620  }
0x1b: {  	[tilespmem:s21], [sflag:$0x3] =	stream.indirect.gather [hbm4b:s4+s16], $0x40, s26, s16, $0xb8;
	[tilespmem:$0x1D1A0] =	vst v63  }
0x1c: {  	s22 =	simm.s32 $0x8A20;
	s21 =	simm.s32 $0xF0  }
0x1d: {  	[tilespmem:s22], [sflag:$0x4] =	stream.indirect.gather [hbm4b:s4+s16], $0x40, s21, s16, $0xb8;
	[tilespmem:$0x1D1A0] =	vst v63  }
0x1e: {  	s23 =	simm.s32 $0x140;
	s24 =	simm.s32 $0x9E20  }
0x1f: {  	[tilespmem:s24], [sflag:$0x5] =	stream.indirect.gather [hbm4b:s4+s16], $0x40, s23, s16, $0xb8;
	[tilespmem:$0x1D1A0] =	vst v63  }
0x20: {  	s25 =	simm.s32 $0x190;
	s26 =	simm.s32 $0xB220  }
0x21: {  	[tilespmem:s26], [sflag:$0x6] =	stream.indirect.gather [hbm4b:s4+s16], $0x40, s25, s16, $0xb8;
	[tilespmem:$0x1D1A0] =	vst v63  }
0x22: {  	_ = 	snop  }
0x23: {  	[tilespmem:s29], [sflag:$0x7] =	stream.indirect.gather [hbm4b:s4+s16], $0x40, s28, s16, $0xb8;
	[tilespmem:$0x1D1A0] =	vst v63  }
0x24: {  	_ = 	snop  }
0x25: {  	[tilespmem:s31], [sflag:$0x8] =	stream.indirect.gather [hbm4b:s4+s16], $0x40, s30, s16, $0xb8;
	[tilespmem:$0x1D1A0] =	vst v63  }
0x26: {  	s20 =	simm.s32 $0x0;
	s21 =	simm.s32 $0x100  }
0x27: {  	[tilespmem:s1], [sflag:$0x9] =	stream.indirect.gather [hbm4b:s4+s16], $0x40, s0, s16, $0xb8;
	[tilespmem:$0x1D1A0] =	vst v63  }
.LBB2_2:
0x28: {  	p0 =	seq.s32 s21, $0x7C00;
	[tilespmem:s20+$0x11650] =	vst v0;
	s22 =	smov.u32 s21;
	s21 =	sadd.s32 $0x100, s21  }
.Ltmp0:
0x29: {  	[tilespmem:s20+$0x11640] =	vst v0;
	(pc) =	sbr.rel @!p0 .LBB2_2-.Ltmp0, $3  }
0x2a: {  	[tilespmem:s20+$0x11620] =	vst v0  }
0x2b: {  	[tilespmem:s20+$0x11630] =	vst v0;
	_ =	sdelay $0x1  }
0x2c: {  	s20 =	sshra.s32 s22, $0x2  }
0x2d: {  	[tilespmem:s20+$0x11650] =	vst v0  }
0x2e: {  	[tilespmem:s20+$0x11640] =	vst v0  }
0x2f: {  	[tilespmem:s20+$0x11620] =	vst v0  }
0x30: {  	[tilespmem:s20+$0x11630] =	vst v0  }
0x31: {  	[spmem:s8] =	stream.linear.scatter [tilespmem:s14], [sflag:$0x16], $0x1F40, $0x38;
	[tilespmem:$0x1D1A0] =	vst v63  }
0x32: {  	_ =	swait.ge [sflag:s17], $0x1F40  }
0x33: {  	[sflag:s17] =	ssyncset.done $0x0  }
0x34: {  	[sflag:s17] =	ssyncadd.s32 $0xFFFFE0C0  }
0x35: {  	[spmem:s10] =	stream.linear.scatter [tilespmem:s14], [sflag:$0x16], $0x1F40, $0x38;
	[tilespmem:$0x1D1A0] =	vst v63  }
0x36: {  	_ =	swait.ge [sflag:s17], $0x1F40  }
0x37: {  	[sflag:s17] =	ssyncset.done $0x0  }
0x38: {  	[sflag:s17] =	ssyncadd.s32 $0xFFFFE0C0  }
0x39: {  	[spmem:s11] =	stream.linear.scatter [tilespmem:s14], [sflag:$0x16], $0x1F40, $0x38;
	[tilespmem:$0x1D1A0] =	vst v63  }
0x3a: {  	_ =	swait.ge [sflag:s17], $0x1F40  }
0x3b: {  	[sflag:s17] =	ssyncset.done $0x0  }
0x3c: {  	[sflag:s17] =	ssyncadd.s32 $0xFFFFE0C0  }
0x3d: {  	[spmem:s12] =	stream.linear.scatter [tilespmem:s14], [sflag:$0x16], $0x1F40, $0x38;
	[tilespmem:$0x1D1A0] =	vst v63  }
0x3e: {  	_ =	swait.ge [sflag:s17], $0x1F40  }
0x3f: {  	[sflag:s17] =	ssyncset.done $0x0  }
0x40: {  	[sflag:s17] =	ssyncadd.s32 $0xFFFFE0C0  }
0x41: {  	[spmem:s13] =	stream.linear.scatter [tilespmem:s14], [sflag:$0x16], $0x1F40, $0x38;
	[tilespmem:$0x1D1A0] =	vst v63  }
0x42: {  	_ =	swait.ge [sflag:s17], $0x1F40  }
0x43: {  	[sflag:s17] =	ssyncset.done $0x0  }
0x44: {  	[sflag:s17] =	ssyncadd.s32 $0xFFFFE0C0  }
0x45: {  	_ =	swait.ge [sflag:s15], $0x2710  }
0x46: {  	[sflag:s15] =	ssyncset.done $0x0  }
0x47: {  	s20 =	simm.s32 $0x0;
	[sflag:s15] =	ssyncadd.s32 $0xFFFFD8F0  }
0x48: {  	s21 =	simm.s32 $0x2710;
	s22 =	simm.s32 $0x2D0;
	[bflag:$0x0] =	sbarrier.arrive $0xFFFF  }
.LBB2_4:
0x49: {  	s23 =	smul.u32 $0xCD, s20;
	_ =	sdelay $0x1  }
0x4a: {  	s24 =	sshrl.u32 s23, $0xB  }
0x4b: {  	s23 =	sadd.s32 $0x735, s23;
	s24 =	sand.u32 $0x1F, s24  }
0x4c: {  	s23 =	sshrl.u32 s23, $0xB;
	s24 =	smul.u32 $0xA, s24  }
0x4d: {  	s23 =	sand.u32 $0x1F, s23  }
0x4e: {  	s23 =	smul.u32 $0xA, s23;
	s24 =	ssub.s32 s20, s24  }
0x4f: {  	s24 =	sand.u32 $0xFF, s24  }
0x50: {  	s23 =	ssub.s32 s20, s23;
	s25 =	smul.u32 $0x5000, s24;
	s26 =	sadd.s32 $0x1, s24  }
0x51: {  	p0 =	seq.s32 s20, $0x0;
	s23 =	sadd.s32 $0x9, s23;
	_ =	swait.ge [sflag:s26], $0x1400  }
0x52: {  	s24 =	sadd.s32 $0xB, s24;
	s25 =	sshrl.u32 s25, $0x2;
	[sflag:s26] =	ssyncset.done $0x0  }
0x53: {  	s23 =	sand.u32 $0xFF, s23;
	s25 =	sadd.s32 $0x4E20, s25;
	[sflag:s26] =	ssyncadd.s32 $0xFFFFEC00  }
0x54: {  	[spmem:s2] =	stream.indirect.scatter.add.f32 [tilespmem:s25], [sflag:s24], $0x40, s21, s16, $0xb8;
	[tilespmem:$0x1D1A0] =	vst v63  }
0x55: {  	s24 =	sadd.s32 @!p0 $0xB, s23  }
0x56: {  	p1 =	sgt.u32 @!p0 s20, $0x73;
	_ =	swait.ge @!p0 [sflag:s24], $0x1400  }
0x57: {  	p1 =	por p0, !p1;
	s20 =	sadd.s32 $0x1, s20;
	[sflag:s24] =	ssyncset.done @!p0 $0x0  }
0x58: {  	[sflag:s24] =	ssyncadd.s32 @!p0 $0xFFFFEC00;
	s24 =	smul.u32 @p1 $0x5000, s23;
	p0 =	sne.s32 s20, $0x7D  }
.Ltmp1:
0x59: {  	_ = 	snop;
	(pc) =	sbr.rel @p0 .LBB2_4-.Ltmp1, $4  }
0x5a: {  	s24 =	sshrl.u32 @p1 s24, $0x2  }
0x5b: {  	s23 =	sadd.s32 @p1 $0x1, s23;
	s24 =	sadd.s32 @p1 $0x4E20, s24  }
0x5c: {  	[tilespmem:s24], [sflag:s23] =	stream.indirect.gather @p1 [hbm4b:s4+s16], $0x40, s22, s16, $0xb8;
	[tilespmem:$0x1D1A0] =	vst v63  }
0x5d: {  	s21 =	sadd.s32 $0x50, s21;
	s22 =	sadd.s32 $0x50, s22  }
0x5e: {  	_ =	swait.ge [sflag:s18], $0x1400;
	s20 =	stileid.u32  }
0x5f: {  	s21 =	sshrl.u32 s8, $0x3;
	s19 =	sadd.s32 $0x1, s19;
	[sflag:s18] =	ssyncset.done $0x0  }
0x60: {  	s20 =	sshll.u32 s20, $0x6;
	p0 =	sne.s32 s19, s9;
	[sflag:s18] =	ssyncadd.s32 $0xFFFFEC00  }
.Ltmp2:
0x61: {  	s20 =	sor.u32 $0x1C16, s20;
	[bflag:$0x0] =	sbarrier.arrive $0xFFFF;
	(pc) =	sbr.rel @p0 .LBB2_1-.Ltmp2, $4  }
0x62: {  	[hbm:s7], [sflag:s20] =	dma.local [spmem:s21], $0x1388  }
0x63: {  	_ =	swait.ge [sflag:s17], $0x1388  }
0x64: {  	[sflag:s17] =	ssyncset.done $0x0  }
0x65: {  	[sflag:s17] =	ssyncadd.s32 $0xFFFFEC78  }
0x66: {  	_ =	sfence.sel $0x180000  }
0x67: {  	[bflag:$0x0] =	sbarrier.arrive $0xFFFF  }
0x68: {  	_ =	strace $0x9000004A  }
0x69: {  	s0 =	stileid.u32;
	[bflag:$0x2] =	sbarrier.arrive $0xFFFF  }
0x6a: {  	p0 =	sne.s32 s0, $0x0;
	s0 =	rddreg [dreg:$0x3]  }
0x6b: {  	s0 =	sadd.s32 @!p0 $0x100000, s0  }
0x6c: {  	[sflag:s0] =	ssyncadd.tile.s32 @!p0 $0x1;
	_ =	shalt  }
.Lfunc_end2:
_tile_overlayer_lowered:
.L_overlay_start_2:
0x6d: {  	(tag) =	ssettag $0x2  }
0x6e: {  	s0 =	rddreg [dreg:$0x0];
	s2 =	stileid.u32  }
0x6f: {  	s1 =	rddreg [dreg:$0x1];
	p0 =	sne.s32 s2, $0x0  }
0x70: {  	s3 =	rddreg [dreg:$0x2];
	[bflag:$0x3] =	sbarrier.arrive $0xFFFF;
	s2 =	simm.s32 @!p0 $0x1C16  }
0x71: {  	[timem:s3], [sflag:s2] =	dma.local @!p0 [hbm:s0], s1  }
0x72: {  	s0 =	simm.s32 @!p0 $0x16  }
0x73: {  	_ =	swait.ge @!p0 [sflag:s0], s1  }
0x74: {  	s1 =	ssub.s32 @!p0 $0x0, s1;
	[sflag:s0] =	ssyncset.done @!p0 $0x0  }
0x75: {  	[sflag:s0] =	ssyncadd.s32 @!p0 s1  }
0x76: {  	[bflag:$0x3] =	sbarrier.arrive $0xFFFF  }
0x77: {  	_ =	shalt  }

// kernel: kernel.14.cloned.1.call-start
scs
__scs_entry_jumppad:
0x0: {  	(pc) =	sbr.rel $0x88, $3  }
0x1: {  	(tag) =	ssettag $0x0;
	lr =	simm.s32 $0x1  }
0x2: {  	[smem:$0x3F9B] =	sst lr;
	_ =	strace $0xD0000000  }
0x3: {  	_ = 	snop  }
0x4: {  	_ = 	snop  }
0x5: {  	_ = 	snop  }
0x6: {  	_ = 	snop  }
0x7: {  	_ = 	snop  }
__scs_overlays_trampoline_lowered:
0x8: {  	[smem:$0x3FAA] =	sst s0  }
0x9: {  	[smem:$0x3FAB] =	sst s1  }
0xa: {  	[smem:$0x3FAC] =	sst s2  }
0xb: {  	[smem:$0x3FAD] =	sst s3  }
0xc: {  	[smem:$0x3FAE] =	sst s4  }
0xd: {  	[smem:$0x3FAF] =	sst s5  }
0xe: {  	[smem:$0x3FB0] =	sst s6  }
0xf: {  	[smem:$0x3FB1] =	sst s7  }
0x10: {  	[smem:$0x3FB2] =	sst s8  }
0x11: {  	[smem:$0x3FB3] =	sst s9;
	s0 =	simm.s32 @!p0 $0x0  }
0x12: {  	s1 =	sld [smem:$0x3F99];
	s0 =	simm.s32 @p0 $0x1  }
0x13: {  	[smem:$0x3FB4] =	sst s0;
	s0 =	simm.s32 @!p1 $0x0  }
0x14: {  	s2 =	sld [smem:$0x3F98];
	s0 =	simm.s32 @p1 $0x1  }
0x15: {  	[smem:$0x3FB5] =	sst s0;
	s0 =	simm.s32 @!p2 $0x0  }
0x16: {  	s3 =	sld [smem:$0x3FDB];
	s0 =	simm.s32 @p2 $0x1  }
0x17: {  	s4 =	simm.s32 $0x1BF5;
	[smem:$0x3FB7] =	sst s0  }
0x18: {  	s0 =	sld [smem:$0x3F9A];
	_ =	swait.ge [sflag:s4], $0x0  }
0x19: {  	s7 =	sld [smem:$0x3F9B]  }
0x1a: {  	s8 =	sadd.s32 $0xFFFFE003, lr  }
0x1b: {  	s9 =	sadd.s32 $0xFFFFFEF7, lr;
	s5 =	simm.s32 $0xFFFFFFFF;
	p2 =	slt.u32 s8, $0xFFFFF086  }
0x1c: {  	p1 =	slt.u32 s9, $0xF7A;
	s5 =	simm.s32 @!p2 $0x0  }
0x1d: {  	s5 =	simm.s32 @p1 $0x1;
	p0 =	seq.s32 s7, s2  }
0x1e: {  	s7 =	smul.u32 @!p0 $0xF7A, s2;
	p2 =	seq.s32 @!p0 s5, $0x0  }
0x1f: {  	s9 =	smul.u32 $0xF7A, s1;
	s8 =	simm.s32 @!p0 $0x1BF5;
	p2 =	por !p2, p0  }
0x20: {  	[sflag:s8] =	ssyncset.s32 @!p0 $0xFFFFF086;
	s6 =	sadd.s32 @!p0 s3, s7;
	s7 =	simm.s32 @!p0 $0x108  }
0x21: {  	s3 =	sadd.s32 s3, s9;
	s6 =	sadd.s32 @!p0 $0x88, s6;
	s7 =	simm.s32 @p2 $0x1082  }
0x22: {  	[simem:s7], [sflag:s8] =	dma.local @!p0 [hbm:s6], $0xF7A  }
0x23: {  	s9 =	sor.u32 $0xD0000000, s2;
	s6 =	simm.s32 $0x108;
	_ =	swait.ge @!p0 [sflag:s8], $0x0  }
0x24: {  	s3 =	sadd.s32 $0x88, s3;
	s6 =	simm.s32 @!p1 $0x1082;
	[sflag:s4] =	ssyncset.s32 $0xFFFFF086  }
0x25: {  	[simem:s6], [sflag:s4] =	dma.local [hbm:s3], $0xF7A  }
0x26: {  	[smem:$0x3F9B] =	sst s1;
	(tag) =	ssettag s2;
	_ =	strace s9  }
0x27: {  	s1 =	sld [smem:$0x3FAB]  }
0x28: {  	s2 =	sld [smem:$0x3FAC]  }
0x29: {  	s4 =	sld [smem:$0x3FAE]  }
0x2a: {  	p0 =	seq.s32 s5, $0x0;
	s5 =	sld [smem:$0x3FAF]  }
0x2b: {  	s6 =	sld [smem:$0x3FB0]  }
0x2c: {  	s7 =	sld [smem:$0x3FB1]  }
0x2d: {  	s3 =	simm.s32 $0x108;
	s8 =	sld [smem:$0x3FB2]  }
0x2e: {  	s3 =	simm.s32 @!p0 $0x1082;
	s9 =	sld [smem:$0x3FB3]  }
0x2f: {  	lr =	sadd.s32 s0, s3;
	s0 =	sld [smem:$0x3FAA]  }
0x30: {  	s3 =	sld [smem:$0x3FAD]  }
0x31: {  	[smem:$0x3FB6] =	sst s10  }
0x32: {  	s10 =	sld [smem:$0x3FB4];
	_ =	sdelay $0x3  }
0x33: {  	p0 =	seq.s32 s10, $0x1;
	s10 =	sld [smem:$0x3FB6];
	_ =	sdelay $0x3  }
0x34: {  	[smem:$0x3FB6] =	sst s10  }
0x35: {  	s10 =	sld [smem:$0x3FB5];
	_ =	sdelay $0x3  }
0x36: {  	p1 =	seq.s32 s10, $0x1;
	s10 =	sld [smem:$0x3FB6];
	_ =	sdelay $0x3  }
0x37: {  	[smem:$0x3FB6] =	sst s10  }
0x38: {  	s10 =	sld [smem:$0x3FB7]  }
0x39: {  	_ = 	snop;
	(pc) =	sbr.ind lr, $3  }
0x3a: {  	_ = 	snop  }
0x3b: {  	_ = 	snop  }
0x3c: {  	p2 =	seq.s32 s10, $0x1;
	s10 =	sld [smem:$0x3FB6]  }
0x3d: {  	_ =	shalt  }
0x3e: {  	_ =	shalt  }
0x3f: {  	_ =	shalt  }
0x40: {  	_ =	shalt  }
0x41: {  	_ =	shalt  }
0x42: {  	_ =	shalt  }
0x43: {  	_ =	shalt  }
0x44: {  	_ =	shalt  }
0x45: {  	_ =	shalt  }
0x46: {  	_ =	shalt  }
0x47: {  	_ =	shalt  }
0x48: {  	_ =	shalt  }
0x49: {  	_ =	shalt  }
0x4a: {  	_ =	shalt  }
0x4b: {  	_ =	shalt  }
0x4c: {  	_ =	shalt  }
0x4d: {  	_ =	shalt  }
0x4e: {  	_ =	shalt  }
0x4f: {  	_ =	shalt  }
0x50: {  	_ =	shalt  }
0x51: {  	_ =	shalt  }
0x52: {  	_ =	shalt  }
0x53: {  	_ =	shalt  }
0x54: {  	_ =	shalt  }
0x55: {  	_ =	shalt  }
0x56: {  	_ =	shalt  }
0x57: {  	_ =	shalt  }
0x58: {  	_ =	shalt  }
0x59: {  	_ =	shalt  }
0x5a: {  	_ =	shalt  }
0x5b: {  	_ =	shalt  }
0x5c: {  	_ =	shalt  }
0x5d: {  	_ =	shalt  }
0x5e: {  	_ =	shalt  }
0x5f: {  	_ =	shalt  }
0x60: {  	_ =	shalt  }
0x61: {  	_ =	shalt  }
0x62: {  	_ =	shalt  }
0x63: {  	_ =	shalt  }
0x64: {  	_ =	shalt  }
0x65: {  	_ =	shalt  }
0x66: {  	_ =	shalt  }
0x67: {  	_ =	shalt  }
0x68: {  	_ =	shalt  }
0x69: {  	_ =	shalt  }
0x6a: {  	_ =	shalt  }
0x6b: {  	_ =	shalt  }
0x6c: {  	_ =	shalt  }
0x6d: {  	_ =	shalt  }
0x6e: {  	_ =	shalt  }
0x6f: {  	_ =	shalt  }
0x70: {  	_ =	shalt  }
0x71: {  	_ =	shalt  }
0x72: {  	_ =	shalt  }
0x73: {  	_ =	shalt  }
0x74: {  	_ =	shalt  }
0x75: {  	_ =	shalt  }
0x76: {  	_ =	shalt  }
0x77: {  	_ =	shalt  }
0x78: {  	_ =	shalt  }
0x79: {  	_ =	shalt  }
0x7a: {  	_ =	shalt  }
0x7b: {  	_ =	shalt  }
0x7c: {  	_ =	shalt  }
0x7d: {  	_ =	shalt  }
0x7e: {  	_ =	shalt  }
0x7f: {  	_ =	shalt  }
0x80: {  	_ =	shalt  }
0x81: {  	_ =	shalt  }
0x82: {  	_ =	shalt  }
0x83: {  	_ =	shalt  }
0x84: {  	_ =	shalt  }
0x85: {  	_ =	shalt  }
0x86: {  	_ =	shalt  }
0x87: {  	_ =	shalt  }
.Lfunc_end0:
.L_simem_size_0:
called_computation.2_lowered:
.L_overlay_start_0:
0x88: {  	s2 =	sld [smem:$0x3FD9]  }
0x89: {  	s3 =	sld [smem:$0x3FFE];
	_ =	sdelay $0x1  }
0x8a: {  	s1 =	srdreg.scid  }
0x8b: {  	s0 =	sand.u32 $0x1, s1  }
0x8c: {  	s17 =	sshll.u32 s0, $0xA;
	s2 =	sadd.s32 s3, s2  }
0x8d: {  	s2 =	sadd.s32 s2, s17  }
0x8e: {  	[smem:$0x3FC2] =	sst s2  }
0x8f: {  	_ = 	snop  }
0x90: {  	s2 =	sld [smem:$0x3FD0];
	(tm) =	ssettm $0x1  }
0x91: {  	s18 =	sld [smem:$0x3FFB];
	_ =	sdelay $0x3  }
0x92: {  	_ =	strace s18  }
0x93: {  	s3 =	sld [smem:$0x3FFC];
	_ =	sdelay $0x3  }
0x94: {  	_ =	strace s3  }
0x95: {  	s3 =	sld [smem:$0x3FFD];
	_ =	sdelay $0x3  }
0x96: {  	_ =	strace s3  }
0x97: {  	_ =	strace $0x8FFFFFFF  }
0x98: {  	s19 =	sld [smem:$0x3FDB];
	_ =	sdelay $0x1  }
0x99: {  	s4 =	simm.s32 $_scs_section_size  }
0x9a: {  	s5 =	simm.s32 $_size__tile_overlayer_lowered;
	s6 =	simm.s32 $_tile_overlayer_lowered  }
0x9b: {  	s22 =	simm.s32 $0x1BFF;
	s21 =	sshll.u32 s6, $0x1;
	s3 =	sadd.s32 s4, s19  }
0x9c: {  	s7 =	simm.s32 $0x0;
	s20 =	sshll.u32 s5, $0x1;
	s5 =	sadd.s32 s21, s3  }
0x9d: {  	[timem:s7], [sflag:s22] =	dma.local [hbm:s5], s20  }
0x9e: {  	_ =	swait.ge [sflag:s22], s20  }
0x9f: {  	s4 =	ssub.s32 $0x0, s20;
	[sflag:s22] =	ssyncset.done $0x0  }
0xa0: {  	[sflag:s22] =	ssyncadd.s32 s4;
	_ =	sdelay $0x1  }
0xa1: {  	s23 =	simm.s32 $0x1B8B  }
0xa2: {  	_ =	swait.ge [sflag:s23], $0x1  }
0xa3: {  	[sflag:s23] =	ssyncset.done $0x0  }
0xa4: {  	s25 =	simm.s32 $0x1B8E;
	s24 =	sld [smem:$0x3FFE];
	[sflag:s23] =	ssyncadd.s32 $0xFFFFFFFF  }
0xa5: {  	s26 =	simm.s32 $execute0_lowered;
	[smem:$0x3FD2] =	sst s25  }
0xa6: {  	s5 =	sshll.u32 s26, $0x1;
	_ =	strace $0x8000004C;
	[dreg:$0x1] =	wrdreg $0xFFFFFFFF  }
0xa7: {  	s28 =	simm.s32 $_size_execute0_lowered;
	s3 =	sadd.s32 s3, s5;
	[dreg:$0x0] =	wrdreg $0x0  }
0xa8: {  	s5 =	sshll.u32 s28, $0x1;
	[dreg:$0x2] =	wrdreg s3  }
0xa9: {  	[dreg:$0x3] =	wrdreg s5  }
0xaa: {  	[dreg:$0x4] =	wrdreg $0xC0  }
0xab: {  	_ =	task [dreg:s7], $0x5FFFF  }
0xac: {  	[dreg:$0x1] =	wrdreg $0xFFFFFFFF  }
0xad: {  	[dreg:$0x0] =	wrdreg $0x60  }
0xae: {  	[dreg:$0x2] =	wrdreg s24  }
0xaf: {  	[dreg:$0x3] =	wrdreg s2  }
0xb0: {  	[dreg:$0x4] =	wrdreg $0x135600  }
0xb1: {  	[dreg:$0x5] =	wrdreg $0x9  }
0xb2: {  	_ =	task.clear_ibuf [dreg:s7], $0x6FFFF;
	_ =	strace $0x9000004C  }
0xb3: {  	s29 =	simm.s32 $0x9;
	_ =	strace $0x8000004E  }
0xb4: {  	_ =	swait.ge [sflag:s29], $0x1  }
0xb5: {  	[sflag:s29] =	ssyncadd.s32 $0xFFFFFFFF  }
0xb6: {  	_ =	strace $0x9000004E  }
0xb7: {  	_ =	sfence  }
0xb8: {  	s30 =	sld [smem:$0x0];
	_ =	sdelay $0x2  }
0xb9: {  	s31 =	sshll.u32 s1, $0xD;
	s1 =	sshrl.u32 s1, $0x2  }
0xba: {  	s3 =	sand.u32 $0x4000, s31;
	s1 =	sadd.s32 s1, s30  }
0xbb: {  	s0 =	sor.u32 s3, s0;
	s1 =	sshll.u32 s1, $0x11  }
0xbc: {  	s0 =	sor.u32 s1, s0  }
0xbd: {  	s0 =	sadd.s32 $0x8F2B, s0  }
0xbe: {  	[sflag:s0] =	ssyncadd.remote.s32 $0x1  }
0xbf: {  	_ =	sfence.sel $0xFFFF  }
0xc0: {  	[dreg:$0x0] =	wrdreg $0xFFFFFFFF;
	(pc) =	sbr.abs _section_cstart, $3  }
0xc1: {  	[dreg:$0x1] =	wrdreg $0xFFFFFFFF  }
0xc2: {  	_ =	task.clear_ibuf [dreg:s7], $0x2FFFF;
	_ =	strace $0x9FFFFFFF  }
0xc3: {  	(tm) =	ssettm $0x7FFFFFFF  }
tec
execute0_lowered:
.L_overlay_start_1:
0x0: {  	(tag) =	ssettag $0x1  }
0x1: {  	s0 =	rddreg [dreg:$0x0]  }
0x2: {  	s1 =	rddreg [dreg:$0x1]  }
0x3: {  	s2 =	rddreg [dreg:$0x2];
	s4 =	srdreg.scid;
	s3 =	simm.s32 $0x0  }
0x4: {  	s9 =	stileid.u32;
	s15 =	simm.s32 $0x15;
	s16 =	simm.s32 $0x50  }
0x5: {  	s28 =	simm.s32 $0x1E0;
	s29 =	simm.s32 $0xC620;
	s30 =	simm.s32 $0x230  }
0x6: {  	s31 =	simm.s32 $0xDA20;
	s14 =	simm.s32 $0x11620;
	s17 =	simm.s32 $0x16  }
0x7: {  	s18 =	simm.s32 $0xF;
	s19 =	simm.s32 $0x0;
	s8 =	smul.u32 $0x1388, s9  }
0x8: {  	s5 =	sand.u32 $0x1, s4;
	s24 =	sshll.u32 s9, $0x1;
	s9 =	smul.u32 $0x27100, s9  }
0x9: {  	[smem:$0x7FF] =	sst s3;
	s4 =	sadd.s32 $0x15800, s0;
	s6 =	smul.u32 $0x13880, s5  }
0xa: {  	_ =	strace $0x8000004D;
	s7 =	sor.u32 s5, s24;
	s5 =	ssub.s32 $0x2, s5  }
0xb: {  	s7 =	smul.u32 $0x4E2, s7;
	s25 =	sshrl.u32 s5, $0x1;
	s26 =	sshrl.u32 s9, $0x2  }
0xc: {  	s6 =	sadd.s32 s8, s6;
	s11 =	ssub.s32 s5, s25;
	s8 =	sadd.s32 s26, s2  }
0xd: {  	s10 =	sadd.s32 s7, s0;
	s0 =	sadd.s32 s6, s0;
	s5 =	sadd.s32 s1, s7  }
0xe: {  	s9 =	smax.u32 s11, $0x1;
	s11 =	sadd.s32 $0x3E80, s8;
	s12 =	sadd.s32 $0x5DC0, s8  }
0xf: {  	s13 =	sadd.s32 $0x7D00, s8;
	s1 =	simm.s32 $0xEE20;
	s6 =	sadd.s32 $0xBA00, s10  }
0x10: {  	v0 =	vimm.f32 $0.0e+00;
	s7 =	sadd.s32 $0x29200, s0;
	s10 =	sadd.s32 $0x1F40, s8;
	s0 =	simm.s32 $0x280  }
.LBB2_1:
0x11: {  	[tilespmem:s3], [sflag:$0x15] =	stream.linear.gather [hbm4b:s5+s3], $0x2710, $0x38;
	[tilespmem:$0x1D1A0] =	vst v63  }
0x12: {  	s20 =	simm.s32 $0x2710  }
0x13: {  	[tilespmem:s20], [sflag:$0x15] =	stream.linear.gather [hbm4b:s6+s3], $0x2710, $0x38;
	[tilespmem:$0x1D1A0] =	vst v63  }
0x14: {  	_ =	swait.ge [sflag:s15], $0x2710  }
0x15: {  	[sflag:s15] =	ssyncset.done $0x0  }
0x16: {  	s24 =	simm.s32 $0x4E20;
	[sflag:s15] =	ssyncadd.s32 $0xFFFFD8F0  }
0x17: {  	[tilespmem:s24], [sflag:$0x1] =	stream.indirect.gather [hbm4b:s4+s16], $0x40, s3, s16, $0xb8;
	[tilespmem:$0x1D1A0] =	vst v63  }
0x18: {  	s25 =	simm.s32 $0x6220  }
0x19: {  	[tilespmem:s25], [sflag:$0x2] =	stream.indirect.gather [hbm4b:s4+s16], $0x40, s16, s16, $0xb8;
	[tilespmem:$0x1D1A0] =	vst v63  }
0x1a: {  	s26 =	simm.s32 $0xA0;
	s21 =	simm.s32 $0x7620  }
0x1b: {  	[tilespmem:s21], [sflag:$0x3] =	stream.indirect.gather [hbm4b:s4+s16], $0x40, s26, s16, $0xb8;
	[tilespmem:$0x1D1A0] =	vst v63  }
0x1c: {  	s22 =	simm.s32 $0x8A20;
	s21 =	simm.s32 $0xF0  }
0x1d: {  	[tilespmem:s22], [sflag:$0x4] =	stream.indirect.gather [hbm4b:s4+s16], $0x40, s21, s16, $0xb8;
	[tilespmem:$0x1D1A0] =	vst v63  }
0x1e: {  	s23 =	simm.s32 $0x140;
	s24 =	simm.s32 $0x9E20  }
0x1f: {  	[tilespmem:s24], [sflag:$0x5] =	stream.indirect.gather [hbm4b:s4+s16], $0x40, s23, s16, $0xb8;
	[tilespmem:$0x1D1A0] =	vst v63  }
0x20: {  	s25 =	simm.s32 $0x190;
	s26 =	simm.s32 $0xB220  }
0x21: {  	[tilespmem:s26], [sflag:$0x6] =	stream.indirect.gather [hbm4b:s4+s16], $0x40, s25, s16, $0xb8;
	[tilespmem:$0x1D1A0] =	vst v63  }
0x22: {  	_ = 	snop  }
0x23: {  	[tilespmem:s29], [sflag:$0x7] =	stream.indirect.gather [hbm4b:s4+s16], $0x40, s28, s16, $0xb8;
	[tilespmem:$0x1D1A0] =	vst v63  }
0x24: {  	_ = 	snop  }
0x25: {  	[tilespmem:s31], [sflag:$0x8] =	stream.indirect.gather [hbm4b:s4+s16], $0x40, s30, s16, $0xb8;
	[tilespmem:$0x1D1A0] =	vst v63  }
0x26: {  	s20 =	simm.s32 $0x0;
	s21 =	simm.s32 $0x100  }
0x27: {  	[tilespmem:s1], [sflag:$0x9] =	stream.indirect.gather [hbm4b:s4+s16], $0x40, s0, s16, $0xb8;
	[tilespmem:$0x1D1A0] =	vst v63  }
.LBB2_2:
0x28: {  	p0 =	seq.s32 s21, $0x7C00;
	[tilespmem:s20+$0x11650] =	vst v0;
	s22 =	smov.u32 s21;
	s21 =	sadd.s32 $0x100, s21  }
.Ltmp0:
0x29: {  	[tilespmem:s20+$0x11640] =	vst v0;
	(pc) =	sbr.rel @!p0 .LBB2_2-.Ltmp0, $3  }
0x2a: {  	[tilespmem:s20+$0x11620] =	vst v0  }
0x2b: {  	[tilespmem:s20+$0x11630] =	vst v0;
	_ =	sdelay $0x1  }
0x2c: {  	s20 =	sshra.s32 s22, $0x2  }
0x2d: {  	[tilespmem:s20+$0x11650] =	vst v0  }
0x2e: {  	[tilespmem:s20+$0x11640] =	vst v0  }
0x2f: {  	[tilespmem:s20+$0x11620] =	vst v0  }
0x30: {  	[tilespmem:s20+$0x11630] =	vst v0  }
0x31: {  	[spmem:s8] =	stream.linear.scatter [tilespmem:s14], [sflag:$0x16], $0x1F40, $0x38;
	[tilespmem:$0x1D1A0] =	vst v63  }
0x32: {  	_ =	swait.ge [sflag:s17], $0x1F40  }
0x33: {  	[sflag:s17] =	ssyncset.done $0x0  }
0x34: {  	[sflag:s17] =	ssyncadd.s32 $0xFFFFE0C0  }
0x35: {  	[spmem:s10] =	stream.linear.scatter [tilespmem:s14], [sflag:$0x16], $0x1F40, $0x38;
	[tilespmem:$0x1D1A0] =	vst v63  }
0x36: {  	_ =	swait.ge [sflag:s17], $0x1F40  }
0x37: {  	[sflag:s17] =	ssyncset.done $0x0  }
0x38: {  	[sflag:s17] =	ssyncadd.s32 $0xFFFFE0C0  }
0x39: {  	[spmem:s11] =	stream.linear.scatter [tilespmem:s14], [sflag:$0x16], $0x1F40, $0x38;
	[tilespmem:$0x1D1A0] =	vst v63  }
0x3a: {  	_ =	swait.ge [sflag:s17], $0x1F40  }
0x3b: {  	[sflag:s17] =	ssyncset.done $0x0  }
0x3c: {  	[sflag:s17] =	ssyncadd.s32 $0xFFFFE0C0  }
0x3d: {  	[spmem:s12] =	stream.linear.scatter [tilespmem:s14], [sflag:$0x16], $0x1F40, $0x38;
	[tilespmem:$0x1D1A0] =	vst v63  }
0x3e: {  	_ =	swait.ge [sflag:s17], $0x1F40  }
0x3f: {  	[sflag:s17] =	ssyncset.done $0x0  }
0x40: {  	[sflag:s17] =	ssyncadd.s32 $0xFFFFE0C0  }
0x41: {  	[spmem:s13] =	stream.linear.scatter [tilespmem:s14], [sflag:$0x16], $0x1F40, $0x38;
	[tilespmem:$0x1D1A0] =	vst v63  }
0x42: {  	_ =	swait.ge [sflag:s17], $0x1F40  }
0x43: {  	[sflag:s17] =	ssyncset.done $0x0  }
0x44: {  	[sflag:s17] =	ssyncadd.s32 $0xFFFFE0C0  }
0x45: {  	_ =	swait.ge [sflag:s15], $0x2710  }
0x46: {  	[sflag:s15] =	ssyncset.done $0x0  }
0x47: {  	s20 =	simm.s32 $0x0;
	[sflag:s15] =	ssyncadd.s32 $0xFFFFD8F0  }
0x48: {  	s21 =	simm.s32 $0x2710;
	s22 =	simm.s32 $0x2D0;
	[bflag:$0x0] =	sbarrier.arrive $0xFFFF  }
.LBB2_4:
0x49: {  	s23 =	smul.u32 $0xCD, s20;
	_ =	sdelay $0x1  }
0x4a: {  	s24 =	sshrl.u32 s23, $0xB  }
0x4b: {  	s23 =	sadd.s32 $0x735, s23;
	s24 =	sand.u32 $0x1F, s24  }
0x4c: {  	s23 =	sshrl.u32 s23, $0xB;
	s24 =	smul.u32 $0xA, s24  }
0x4d: {  	s23 =	sand.u32 $0x1F, s23  }
0x4e: {  	s23 =	smul.u32 $0xA, s23;
	s24 =	ssub.s32 s20, s24  }
0x4f: {  	s24 =	sand.u32 $0xFF, s24  }
0x50: {  	s23 =	ssub.s32 s20, s23;
	s25 =	smul.u32 $0x5000, s24;
	s26 =	sadd.s32 $0x1, s24  }
0x51: {  	p0 =	seq.s32 s20, $0x0;
	s23 =	sadd.s32 $0x9, s23;
	_ =	swait.ge [sflag:s26], $0x1400  }
0x52: {  	s24 =	sadd.s32 $0xB, s24;
	s25 =	sshrl.u32 s25, $0x2;
	[sflag:s26] =	ssyncset.done $0x0  }
0x53: {  	s23 =	sand.u32 $0xFF, s23;
	s25 =	sadd.s32 $0x4E20, s25;
	[sflag:s26] =	ssyncadd.s32 $0xFFFFEC00  }
0x54: {  	[spmem:s2] =	stream.indirect.scatter.add.f32 [tilespmem:s25], [sflag:s24], $0x40, s21, s16, $0xb8;
	[tilespmem:$0x1D1A0] =	vst v63  }
0x55: {  	s24 =	sadd.s32 @!p0 $0xB, s23  }
0x56: {  	p1 =	sgt.u32 @!p0 s20, $0x73;
	_ =	swait.ge @!p0 [sflag:s24], $0x1400  }
0x57: {  	p1 =	por p0, !p1;
	s20 =	sadd.s32 $0x1, s20;
	[sflag:s24] =	ssyncset.done @!p0 $0x0  }
0x58: {  	[sflag:s24] =	ssyncadd.s32 @!p0 $0xFFFFEC00;
	s24 =	smul.u32 @p1 $0x5000, s23;
	p0 =	sne.s32 s20, $0x7D  }
.Ltmp1:
0x59: {  	_ = 	snop;
	(pc) =	sbr.rel @p0 .LBB2_4-.Ltmp1, $4  }
0x5a: {  	s24 =	sshrl.u32 @p1 s24, $0x2  }
0x5b: {  	s23 =	sadd.s32 @p1 $0x1, s23;
	s24 =	sadd.s32 @p1 $0x4E20, s24  }
0x5c: {  	[tilespmem:s24], [sflag:s23] =	stream.indirect.gather @p1 [hbm4b:s4+s16], $0x40, s22, s16, $0xb8;
	[tilespmem:$0x1D1A0] =	vst v63  }
0x5d: {  	s21 =	sadd.s32 $0x50, s21;
	s22 =	sadd.s32 $0x50, s22  }
0x5e: {  	_ =	swait.ge [sflag:s18], $0x1400;
	s20 =	stileid.u32  }
0x5f: {  	s21 =	sshrl.u32 s8, $0x3;
	s19 =	sadd.s32 $0x1, s19;
	[sflag:s18] =	ssyncset.done $0x0  }
0x60: {  	s20 =	sshll.u32 s20, $0x6;
	p0 =	sne.s32 s19, s9;
	[sflag:s18] =	ssyncadd.s32 $0xFFFFEC00  }
.Ltmp2:
0x61: {  	s20 =	sor.u32 $0x1C16, s20;
	[bflag:$0x0] =	sbarrier.arrive $0xFFFF;
	(pc) =	sbr.rel @p0 .LBB2_1-.Ltmp2, $4  }
0x62: {  	[hbm:s7], [sflag:s20] =	dma.local [spmem:s21], $0x1388  }
0x63: {  	_ =	swait.ge [sflag:s17], $0x1388  }
0x64: {  	[sflag:s17] =	ssyncset.done $0x0  }
0x65: {  	[sflag:s17] =	ssyncadd.s32 $0xFFFFEC78  }
0x66: {  	_ =	sfence.sel $0x180000  }
0x67: {  	[bflag:$0x0] =	sbarrier.arrive $0xFFFF  }
0x68: {  	_ =	strace $0x9000004D  }
0x69: {  	s0 =	stileid.u32;
	[bflag:$0x2] =	sbarrier.arrive $0xFFFF  }
0x6a: {  	p0 =	sne.s32 s0, $0x0;
	s0 =	rddreg [dreg:$0x3]  }
0x6b: {  	s0 =	sadd.s32 @!p0 $0x100000, s0  }
0x6c: {  	[sflag:s0] =	ssyncadd.tile.s32 @!p0 $0x1;
	_ =	shalt  }
.Lfunc_end2:
_tile_overlayer_lowered:
.L_overlay_start_2:
0x6d: {  	(tag) =	ssettag $0x2  }
0x6e: {  	s0 =	rddreg [dreg:$0x0];
	s2 =	stileid.u32  }
0x6f: {  	s1 =	rddreg [dreg:$0x1];
	p0 =	sne.s32 s2, $0x0  }
0x70: {  	s3 =	rddreg [dreg:$0x2];
	[bflag:$0x3] =	sbarrier.arrive $0xFFFF;
	s2 =	simm.s32 @!p0 $0x1C16  }
0x71: {  	[timem:s3], [sflag:s2] =	dma.local @!p0 [hbm:s0], s1  }
0x72: {  	s0 =	simm.s32 @!p0 $0x16  }
0x73: {  	_ =	swait.ge @!p0 [sflag:s0], s1  }
0x74: {  	s1 =	ssub.s32 @!p0 $0x0, s1;
	[sflag:s0] =	ssyncset.done @!p0 $0x0  }
0x75: {  	[sflag:s0] =	ssyncadd.s32 @!p0 s1  }
0x76: {  	[bflag:$0x3] =	sbarrier.arrive $0xFFFF  }
0x77: {  	_ =	shalt  }

// kernel: kernel.8.cloned.1.call-start
scs
__scs_entry_jumppad:
0x0: {  	(pc) =	sbr.rel $0x88, $3  }
0x1: {  	(tag) =	ssettag $0x0;
	lr =	simm.s32 $0x1  }
0x2: {  	[smem:$0x3F9B] =	sst lr;
	_ =	strace $0xD0000000  }
0x3: {  	_ = 	snop  }
0x4: {  	_ = 	snop  }
0x5: {  	_ = 	snop  }
0x6: {  	_ = 	snop  }
0x7: {  	_ = 	snop  }
__scs_overlays_trampoline_lowered:
0x8: {  	[smem:$0x3FAA] =	sst s0  }
0x9: {  	[smem:$0x3FAB] =	sst s1  }
0xa: {  	[smem:$0x3FAC] =	sst s2  }
0xb: {  	[smem:$0x3FAD] =	sst s3  }
0xc: {  	[smem:$0x3FAE] =	sst s4  }
0xd: {  	[smem:$0x3FAF] =	sst s5  }
0xe: {  	[smem:$0x3FB0] =	sst s6  }
0xf: {  	[smem:$0x3FB1] =	sst s7  }
0x10: {  	[smem:$0x3FB2] =	sst s8  }
0x11: {  	[smem:$0x3FB3] =	sst s9;
	s0 =	simm.s32 @!p0 $0x0  }
0x12: {  	s1 =	sld [smem:$0x3F99];
	s0 =	simm.s32 @p0 $0x1  }
0x13: {  	[smem:$0x3FB4] =	sst s0;
	s0 =	simm.s32 @!p1 $0x0  }
0x14: {  	s2 =	sld [smem:$0x3F98];
	s0 =	simm.s32 @p1 $0x1  }
0x15: {  	[smem:$0x3FB5] =	sst s0;
	s0 =	simm.s32 @!p2 $0x0  }
0x16: {  	s3 =	sld [smem:$0x3FDB];
	s0 =	simm.s32 @p2 $0x1  }
0x17: {  	s4 =	simm.s32 $0x1BF5;
	[smem:$0x3FB7] =	sst s0  }
0x18: {  	s0 =	sld [smem:$0x3F9A];
	_ =	swait.ge [sflag:s4], $0x0  }
0x19: {  	s7 =	sld [smem:$0x3F9B]  }
0x1a: {  	s8 =	sadd.s32 $0xFFFFE003, lr  }
0x1b: {  	s9 =	sadd.s32 $0xFFFFFEF7, lr;
	s5 =	simm.s32 $0xFFFFFFFF;
	p2 =	slt.u32 s8, $0xFFFFF086  }
0x1c: {  	p1 =	slt.u32 s9, $0xF7A;
	s5 =	simm.s32 @!p2 $0x0  }
0x1d: {  	s5 =	simm.s32 @p1 $0x1;
	p0 =	seq.s32 s7, s2  }
0x1e: {  	s7 =	smul.u32 @!p0 $0xF7A, s2;
	p2 =	seq.s32 @!p0 s5, $0x0  }
0x1f: {  	s9 =	smul.u32 $0xF7A, s1;
	s8 =	simm.s32 @!p0 $0x1BF5;
	p2 =	por !p2, p0  }
0x20: {  	[sflag:s8] =	ssyncset.s32 @!p0 $0xFFFFF086;
	s6 =	sadd.s32 @!p0 s3, s7;
	s7 =	simm.s32 @!p0 $0x108  }
0x21: {  	s3 =	sadd.s32 s3, s9;
	s6 =	sadd.s32 @!p0 $0x88, s6;
	s7 =	simm.s32 @p2 $0x1082  }
0x22: {  	[simem:s7], [sflag:s8] =	dma.local @!p0 [hbm:s6], $0xF7A  }
0x23: {  	s9 =	sor.u32 $0xD0000000, s2;
	s6 =	simm.s32 $0x108;
	_ =	swait.ge @!p0 [sflag:s8], $0x0  }
0x24: {  	s3 =	sadd.s32 $0x88, s3;
	s6 =	simm.s32 @!p1 $0x1082;
	[sflag:s4] =	ssyncset.s32 $0xFFFFF086  }
0x25: {  	[simem:s6], [sflag:s4] =	dma.local [hbm:s3], $0xF7A  }
0x26: {  	[smem:$0x3F9B] =	sst s1;
	(tag) =	ssettag s2;
	_ =	strace s9  }
0x27: {  	s1 =	sld [smem:$0x3FAB]  }
0x28: {  	s2 =	sld [smem:$0x3FAC]  }
0x29: {  	s4 =	sld [smem:$0x3FAE]  }
0x2a: {  	p0 =	seq.s32 s5, $0x0;
	s5 =	sld [smem:$0x3FAF]  }
0x2b: {  	s6 =	sld [smem:$0x3FB0]  }
0x2c: {  	s7 =	sld [smem:$0x3FB1]  }
0x2d: {  	s3 =	simm.s32 $0x108;
	s8 =	sld [smem:$0x3FB2]  }
0x2e: {  	s3 =	simm.s32 @!p0 $0x1082;
	s9 =	sld [smem:$0x3FB3]  }
0x2f: {  	lr =	sadd.s32 s0, s3;
	s0 =	sld [smem:$0x3FAA]  }
0x30: {  	s3 =	sld [smem:$0x3FAD]  }
0x31: {  	[smem:$0x3FB6] =	sst s10  }
0x32: {  	s10 =	sld [smem:$0x3FB4];
	_ =	sdelay $0x3  }
0x33: {  	p0 =	seq.s32 s10, $0x1;
	s10 =	sld [smem:$0x3FB6];
	_ =	sdelay $0x3  }
0x34: {  	[smem:$0x3FB6] =	sst s10  }
0x35: {  	s10 =	sld [smem:$0x3FB5];
	_ =	sdelay $0x3  }
0x36: {  	p1 =	seq.s32 s10, $0x1;
	s10 =	sld [smem:$0x3FB6];
	_ =	sdelay $0x3  }
0x37: {  	[smem:$0x3FB6] =	sst s10  }
0x38: {  	s10 =	sld [smem:$0x3FB7]  }
0x39: {  	_ = 	snop;
	(pc) =	sbr.ind lr, $3  }
0x3a: {  	_ = 	snop  }
0x3b: {  	_ = 	snop  }
0x3c: {  	p2 =	seq.s32 s10, $0x1;
	s10 =	sld [smem:$0x3FB6]  }
0x3d: {  	_ =	shalt  }
0x3e: {  	_ =	shalt  }
0x3f: {  	_ =	shalt  }
0x40: {  	_ =	shalt  }
0x41: {  	_ =	shalt  }
0x42: {  	_ =	shalt  }
0x43: {  	_ =	shalt  }
0x44: {  	_ =	shalt  }
0x45: {  	_ =	shalt  }
0x46: {  	_ =	shalt  }
0x47: {  	_ =	shalt  }
0x48: {  	_ =	shalt  }
0x49: {  	_ =	shalt  }
0x4a: {  	_ =	shalt  }
0x4b: {  	_ =	shalt  }
0x4c: {  	_ =	shalt  }
0x4d: {  	_ =	shalt  }
0x4e: {  	_ =	shalt  }
0x4f: {  	_ =	shalt  }
0x50: {  	_ =	shalt  }
0x51: {  	_ =	shalt  }
0x52: {  	_ =	shalt  }
0x53: {  	_ =	shalt  }
0x54: {  	_ =	shalt  }
0x55: {  	_ =	shalt  }
0x56: {  	_ =	shalt  }
0x57: {  	_ =	shalt  }
0x58: {  	_ =	shalt  }
0x59: {  	_ =	shalt  }
0x5a: {  	_ =	shalt  }
0x5b: {  	_ =	shalt  }
0x5c: {  	_ =	shalt  }
0x5d: {  	_ =	shalt  }
0x5e: {  	_ =	shalt  }
0x5f: {  	_ =	shalt  }
0x60: {  	_ =	shalt  }
0x61: {  	_ =	shalt  }
0x62: {  	_ =	shalt  }
0x63: {  	_ =	shalt  }
0x64: {  	_ =	shalt  }
0x65: {  	_ =	shalt  }
0x66: {  	_ =	shalt  }
0x67: {  	_ =	shalt  }
0x68: {  	_ =	shalt  }
0x69: {  	_ =	shalt  }
0x6a: {  	_ =	shalt  }
0x6b: {  	_ =	shalt  }
0x6c: {  	_ =	shalt  }
0x6d: {  	_ =	shalt  }
0x6e: {  	_ =	shalt  }
0x6f: {  	_ =	shalt  }
0x70: {  	_ =	shalt  }
0x71: {  	_ =	shalt  }
0x72: {  	_ =	shalt  }
0x73: {  	_ =	shalt  }
0x74: {  	_ =	shalt  }
0x75: {  	_ =	shalt  }
0x76: {  	_ =	shalt  }
0x77: {  	_ =	shalt  }
0x78: {  	_ =	shalt  }
0x79: {  	_ =	shalt  }
0x7a: {  	_ =	shalt  }
0x7b: {  	_ =	shalt  }
0x7c: {  	_ =	shalt  }
0x7d: {  	_ =	shalt  }
0x7e: {  	_ =	shalt  }
0x7f: {  	_ =	shalt  }
0x80: {  	_ =	shalt  }
0x81: {  	_ =	shalt  }
0x82: {  	_ =	shalt  }
0x83: {  	_ =	shalt  }
0x84: {  	_ =	shalt  }
0x85: {  	_ =	shalt  }
0x86: {  	_ =	shalt  }
0x87: {  	_ =	shalt  }
.Lfunc_end0:
.L_simem_size_0:
called_computation_lowered:
.L_overlay_start_0:
0x88: {  	s2 =	sld [smem:$0x3FD9]  }
0x89: {  	s3 =	sld [smem:$0x3FFE];
	_ =	sdelay $0x1  }
0x8a: {  	s1 =	srdreg.scid  }
0x8b: {  	s0 =	sand.u32 $0x1, s1  }
0x8c: {  	s17 =	sshll.u32 s0, $0xA;
	s2 =	sadd.s32 s3, s2  }
0x8d: {  	s2 =	sadd.s32 s2, s17  }
0x8e: {  	[smem:$0x3FC2] =	sst s2  }
0x8f: {  	_ = 	snop  }
0x90: {  	s2 =	sld [smem:$0x3FD0];
	(tm) =	ssettm $0x1  }
0x91: {  	s18 =	sld [smem:$0x3FFB];
	_ =	sdelay $0x3  }
0x92: {  	_ =	strace s18  }
0x93: {  	s3 =	sld [smem:$0x3FFC];
	_ =	sdelay $0x3  }
0x94: {  	_ =	strace s3  }
0x95: {  	s3 =	sld [smem:$0x3FFD];
	_ =	sdelay $0x3  }
0x96: {  	_ =	strace s3  }
0x97: {  	_ =	strace $0x8FFFFFFF  }
0x98: {  	s19 =	sld [smem:$0x3FDB];
	_ =	sdelay $0x1  }
0x99: {  	s4 =	simm.s32 $_scs_section_size  }
0x9a: {  	s5 =	simm.s32 $_size__tile_overlayer_lowered;
	s6 =	simm.s32 $_tile_overlayer_lowered  }
0x9b: {  	s22 =	simm.s32 $0x1BFF;
	s21 =	sshll.u32 s6, $0x1;
	s3 =	sadd.s32 s4, s19  }
0x9c: {  	s7 =	simm.s32 $0x0;
	s20 =	sshll.u32 s5, $0x1;
	s5 =	sadd.s32 s21, s3  }
0x9d: {  	[timem:s7], [sflag:s22] =	dma.local [hbm:s5], s20  }
0x9e: {  	_ =	swait.ge [sflag:s22], s20  }
0x9f: {  	s4 =	ssub.s32 $0x0, s20;
	[sflag:s22] =	ssyncset.done $0x0  }
0xa0: {  	[sflag:s22] =	ssyncadd.s32 s4;
	_ =	sdelay $0x1  }
0xa1: {  	s23 =	simm.s32 $0x1B8B  }
0xa2: {  	_ =	swait.ge [sflag:s23], $0x1  }
0xa3: {  	[sflag:s23] =	ssyncset.done $0x0  }
0xa4: {  	s25 =	simm.s32 $0x1B8E;
	s24 =	sld [smem:$0x3FFE];
	[sflag:s23] =	ssyncadd.s32 $0xFFFFFFFF  }
0xa5: {  	s26 =	simm.s32 $execute0_lowered;
	[smem:$0x3FD2] =	sst s25  }
0xa6: {  	s5 =	sshll.u32 s26, $0x1;
	_ =	strace $0x80000046;
	[dreg:$0x1] =	wrdreg $0xFFFFFFFF  }
0xa7: {  	s28 =	simm.s32 $_size_execute0_lowered;
	s3 =	sadd.s32 s3, s5;
	[dreg:$0x0] =	wrdreg $0x0  }
0xa8: {  	s5 =	sshll.u32 s28, $0x1;
	[dreg:$0x2] =	wrdreg s3  }
0xa9: {  	[dreg:$0x3] =	wrdreg s5  }
0xaa: {  	[dreg:$0x4] =	wrdreg $0xC0  }
0xab: {  	_ =	task [dreg:s7], $0x5FFFF  }
0xac: {  	[dreg:$0x1] =	wrdreg $0xFFFFFFFF  }
0xad: {  	[dreg:$0x0] =	wrdreg $0x60  }
0xae: {  	[dreg:$0x2] =	wrdreg s2  }
0xaf: {  	[dreg:$0x3] =	wrdreg s24  }
0xb0: {  	[dreg:$0x4] =	wrdreg $0x9  }
0xb1: {  	_ =	task.clear_ibuf [dreg:s7], $0x5FFFF;
	_ =	strace $0x90000046  }
0xb2: {  	s29 =	simm.s32 $0x9;
	_ =	strace $0x80000048  }
0xb3: {  	_ =	swait.ge [sflag:s29], $0x1  }
0xb4: {  	[sflag:s29] =	ssyncadd.s32 $0xFFFFFFFF  }
0xb5: {  	_ =	strace $0x90000048  }
0xb6: {  	_ =	sfence  }
0xb7: {  	s30 =	sld [smem:$0x0];
	_ =	sdelay $0x2  }
0xb8: {  	s31 =	sshll.u32 s1, $0xD;
	s1 =	sshrl.u32 s1, $0x2  }
0xb9: {  	s3 =	sand.u32 $0x4000, s31;
	s1 =	sadd.s32 s1, s30  }
0xba: {  	s0 =	sor.u32 s3, s0;
	s1 =	sshll.u32 s1, $0x11  }
0xbb: {  	s0 =	sor.u32 s1, s0  }
0xbc: {  	s0 =	sadd.s32 $0x8F2B, s0  }
0xbd: {  	[sflag:s0] =	ssyncadd.remote.s32 $0x1  }
0xbe: {  	_ =	sfence.sel $0xFFFF  }
0xbf: {  	[dreg:$0x0] =	wrdreg $0xFFFFFFFF;
	(pc) =	sbr.abs _section_cstart, $3  }
0xc0: {  	[dreg:$0x1] =	wrdreg $0xFFFFFFFF  }
0xc1: {  	_ =	task.clear_ibuf [dreg:s7], $0x2FFFF;
	_ =	strace $0x9FFFFFFF  }
0xc2: {  	(tm) =	ssettm $0x7FFFFFFF  }
0xc3: {  	_ =	shalt  }
tec
execute0_lowered:
.L_overlay_start_1:
0x0: {  	(tag) =	ssettag $0x1  }
0x1: {  	s1 =	srdreg.scid;
	s4 =	rddreg [dreg:$0x0]  }
0x2: {  	s0 =	stileid.u32;
	s5 =	rddreg [dreg:$0x1]  }
0x3: {  	s2 =	simm.s32 $0x0;
	s3 =	sand.u32 $0x1, s1;
	s30 =	sshll.u32 s0, $0x1  }
0x4: {  	s8 =	simm.s32 $0x2;
	s9 =	simm.s32 $0x0;
	s1 =	sor.u32 s3, s30  }
0x5: {  	[smem:$0x7FF] =	sst s2;
	s3 =	ssub.s32 $0x2, s3;
	s6 =	smul.u32 $0x2710, s1  }
0x6: {  	s1 =	rddreg [dreg:$0x2];
	_ =	strace $0x80000047;
	s7 =	sshrl.u32 s3, $0x1  }
0x7: {  	s31 =	ssub.s32 s3, s7;
	s7 =	simm.s32 $0x2710;
	s6 =	sshrl.u32 s6, $0x3  }
0x8: {  	s4 =	sadd.s32 s4, s6;
	s5 =	sadd.s32 s6, s5;
	s6 =	simm.s32 $0x1  }
0x9: {  	v0 =	vimm.f32 $0.0e+00;
	s3 =	sadd.s32 $0x9C40, s4;
	s4 =	sadd.s32 $0x1C00, s5;
	s5 =	smax.u32 s31, $0x1  }
.LBB2_1:
0xa: {  	[tilespmem:s2], [sflag:$0x1] =	stream.linear.gather [hbm4b:s3+s2], $0x2710, $0x38;
	[tilespmem:$0x4E20] =	vst v63  }
0xb: {  	s10 =	simm.s32 $0x2730  }
0xc: {  	[tilespmem:s10+$0xFFFFFFE0] =	vst v0  }
0xd: {  	[tilespmem:s10+$0x10] =	vst v0  }
0xe: {  	s11 =	simm.s32 $0x0;
	[tilespmem:s10+$0x0] =	vst v0  }
.LBB2_2:
0xf: {  	s11 =	sadd.s32 $0x4, s11  }
0x10: {  	[tilespmem:s10+$0xFFFFFFF0] =	vst v0;
	s10 =	sadd.s32 $0x40, s10;
	p0 =	slt.u32 s11, $0x26C  }
.Ltmp0:
0x11: {  	[tilespmem:s10+$0xFFFFFFE0] =	vst v0;
	(pc) =	sbr.rel @p0 .LBB2_2-.Ltmp0, $3  }
0x12: {  	_ =	sdelay $0x1  }
0x13: {  	[tilespmem:s10+$0x10] =	vst v0  }
0x14: {  	[tilespmem:s10+$0x0] =	vst v0  }
0x15: {  	[tilespmem:s10+$0xFFFFFFF0] =	vst v0  }
0x16: {  	[tilespmem:$0x4E10] =	vst v0  }
0x17: {  	_ =	swait.ge [sflag:s6], $0x2710  }
0x18: {  	[sflag:s6] =	ssyncset.done $0x0  }
0x19: {  	s10 =	simm.s32 $0xFFFFFFFC;
	s11 =	simm.s32 $0x20;
	[sflag:s6] =	ssyncadd.s32 $0xFFFFD8F0  }
.LBB2_4:
0x1a: {  	v1 =	vld [tilespmem:s11+$0xFFFFFFE0];
	_ =	sdelay $0x4  }
0x1b: {  	(xrf1) =	vunique.msk.u32 $0xffff, v1;
	_ =	sdelay $0xd  }
0x1c: {  	_, v2, vm0 =	vpop (xrf1);
	_ =	sdelay $0x3  }
0x1d: {  	v2 =	vcvt.s32.f32 v2;
	_ =	sdelay $0x1  }
0x1e: {  	[tilespmem:v1+s7+$0x0] =	vst.idx.add.f32.msk vm0, v2  }
0x1f: {  	v1 =	vld [tilespmem:s11+$0xFFFFFFF0];
	_ =	sdelay $0x4  }
0x20: {  	(xrf1) =	vunique.msk.u32 $0xffff, v1;
	_ =	sdelay $0xd  }
0x21: {  	_, v2, vm0 =	vpop (xrf1);
	_ =	sdelay $0x3  }
0x22: {  	v2 =	vcvt.s32.f32 v2;
	_ =	sdelay $0x1  }
0x23: {  	[tilespmem:v1+s7+$0x0] =	vst.idx.add.f32.msk vm0, v2  }
0x24: {  	v1 =	vld [tilespmem:s11+$0x0];
	_ =	sdelay $0x4  }
0x25: {  	(xrf1) =	vunique.msk.u32 $0xffff, v1;
	_ =	sdelay $0xd  }
0x26: {  	_, v2, vm0 =	vpop (xrf1);
	_ =	sdelay $0x3  }
0x27: {  	v2 =	vcvt.s32.f32 v2;
	_ =	sdelay $0x1  }
0x28: {  	[tilespmem:v1+s7+$0x0] =	vst.idx.add.f32.msk vm0, v2  }
0x29: {  	v1 =	vld [tilespmem:s11+$0x10];
	_ =	sdelay $0x4  }
0x2a: {  	(xrf1) =	vunique.msk.u32 $0xffff, v1;
	_ =	sdelay $0xd  }
0x2b: {  	s10 =	sadd.s32 $0x4, s10;
	_, v2, vm0 =	vpop (xrf1)  }
0x2c: {  	p0 =	slt.u32 s10, $0x26C  }
.Ltmp1:
0x2d: {  	_ = 	snop;
	(pc) =	sbr.rel @p0 .LBB2_4-.Ltmp1, $3  }
0x2e: {  	_ = 	snop  }
0x2f: {  	v2 =	vcvt.s32.f32 v2;
	_ =	sdelay $0x1  }
0x30: {  	s11 =	sadd.s32 $0x40, s11;
	[tilespmem:v1+s7+$0x0] =	vst.idx.add.f32.msk vm0, v2  }
0x31: {  	v1 =	vld [tilespmem:$0x2700];
	_ =	sdelay $0x4  }
0x32: {  	(xrf1) =	vunique.msk.u32 $0xffff, v1;
	_ =	sdelay $0xd  }
0x33: {  	_, v2, vm0 =	vpop (xrf1);
	_ =	sdelay $0x3  }
0x34: {  	s9 =	sadd.s32 $0x1, s9;
	v2 =	vcvt.s32.f32 v2  }
0x35: {  	p0 =	sne.s32 s9, s5  }
.Ltmp2:
0x36: {  	[tilespmem:v1+s7+$0x0] =	vst.idx.add.f32.msk vm0, v2;
	(pc) =	sbr.rel @p0 .LBB2_1-.Ltmp2, $4  }
0x37: {  	[hbm4b:s4+s2] =	stream.linear.scatter [tilespmem:s7], [sflag:$0x2], $0x2710, $0x38;
	[tilespmem:$0x4E20] =	vst v63  }
0x38: {  	_ =	swait.ge [sflag:s8], $0x2710  }
0x39: {  	[sflag:s8] =	ssyncset.done $0x0  }
0x3a: {  	[sflag:s8] =	ssyncadd.s32 $0xFFFFD8F0  }
0x3b: {  	_ =	sfence.sel $0x180000  }
0x3c: {  	[bflag:$0x0] =	sbarrier.arrive $0xFFFF  }
0x3d: {  	p0 =	sne.s32 s0, $0x0;
	_ =	strace $0x90000047  }
0x3e: {  	s0 =	sadd.s32 @!p0 $0x100000, s1;
	[bflag:$0x2] =	sbarrier.arrive $0xFFFF  }
0x3f: {  	[sflag:s0] =	ssyncadd.tile.s32 @!p0 $0x1;
	_ =	shalt  }
.Lfunc_end2:
_tile_overlayer_lowered:
.L_overlay_start_2:
0x40: {  	(tag) =	ssettag $0x2  }
0x41: {  	s0 =	rddreg [dreg:$0x0];
	s2 =	stileid.u32  }
0x42: {  	s1 =	rddreg [dreg:$0x1];
	p0 =	sne.s32 s2, $0x0  }
0x43: {  	s3 =	rddreg [dreg:$0x2];
	[bflag:$0x3] =	sbarrier.arrive $0xFFFF;
	s2 =	simm.s32 @!p0 $0x1C02  }
0x44: {  	[timem:s3], [sflag:s2] =	dma.local @!p0 [hbm:s0], s1  }
0x45: {  	s0 =	simm.s32 @!p0 $0x2  }
0x46: {  	_ =	swait.ge @!p0 [sflag:s0], s1  }
0x47: {  	s1 =	ssub.s32 @!p0 $0x0, s1;
	[sflag:s0] =	ssyncset.done @!p0 $0x0  }
0x48: {  	[sflag:s0] =	ssyncadd.s32 @!p0 s1  }
0x49: {  	[bflag:$0x3] =	sbarrier.arrive $0xFFFF  }
0x4a: {  	_ =	shalt  }

</sc_bundles>
